<compile_context>
chip_gen: v7x
topology: tpu7x:2x2x1
jax: 0.10.2.dev20260603
libtpu: 0.0.44.dev20260713+nightly
codegen_flags: <defaults>
</compile_context>

<pallas_src>
import functools
import jax
import jax.numpy as jnp
from jax import lax
from jax.experimental import pallas as pl
from jax.experimental.pallas import tpu as pltpu
from jax.experimental.pallas import tpu_sc as plsc

_BINS = 10
_ALPHA = 0.75
_N = 16777216
_NW = 32
_PER_W = _N // _NW
_CHUNK = 16384
_NCHUNK = _PER_W // _CHUNK
_L = 16
_VPC = _CHUNK // _L
_UNROLL = 8

_LOG1P_C = (
    0.0009253039606846869, 0.9797518253326416, -0.3935335576534271,
    0.10668396204710007,
)
_DEG = len(_LOG1P_C) - 1


def _make_sc_call():
    mesh = plsc.VectorSubcoreMesh(core_axis_name="c", subcore_axis_name="s")

    @functools.partial(
        pl.kernel,
        mesh=mesh,
        compiler_params=pltpu.CompilerParams(needs_layout_passes=False),
        out_type=jax.ShapeDtypeStruct((_NW, 2, 16 * _L), jnp.float32),
        scratch_types=[
            pltpu.VMEM((_CHUNK,), jnp.float32),
            pltpu.VMEM((_CHUNK,), jnp.float32),
            pltpu.VMEM((_CHUNK,), jnp.float32),
            pltpu.VMEM((_CHUNK,), jnp.float32),
            pltpu.VMEM((16 * _L,), jnp.float32),
            pltpu.VMEM((16 * _L,), jnp.float32),
            pltpu.SemaphoreType.DMA,
            pltpu.SemaphoreType.DMA,
            pltpu.SemaphoreType.DMA,
            pltpu.SemaphoreType.DMA,
        ],
    )
    def _sc_hist(x_hbm, t_hbm, out_hbm, xb0, xb1, tb0, tb1, tab_ls, tab_cnt,
                 sx0, sx1, st0, st1):
        c = lax.axis_index("c")
        s = lax.axis_index("s")
        wid = s * 2 + c
        base = wid * _PER_W

        zero = jnp.zeros((_L,), jnp.float32)
        for r in range(16):
            tab_ls[pl.ds(r * _L, _L)] = zero
            tab_cnt[pl.ds(r * _L, _L)] = zero

        lane = lax.iota(jnp.int32, _L)
        ones = jnp.full((_L,), 1.0, jnp.float32)

        def start(ci, xb, tb, sx, st):
            off = base + ci * _CHUNK
            pltpu.make_async_copy(x_hbm.at[pl.ds(off, _CHUNK)], xb, sx).start()
            pltpu.make_async_copy(t_hbm.at[pl.ds(off, _CHUNK)], tb, st).start()

        def wait(xb, tb, sx, st):
            pltpu.make_async_copy(x_hbm.at[pl.ds(0, _CHUNK)], xb, sx).wait()
            pltpu.make_async_copy(t_hbm.at[pl.ds(0, _CHUNK)], tb, st).wait()

        def compute(xr, tr):
            @plsc.parallel_loop(0, _VPC, 1, unroll=_UNROLL)
            def _vec(j):
                off = j * _L
                xv = xr[pl.ds(off, _L)]
                tv = tr[pl.ds(off, _L)]
                xi = plsc.bitcast(xv, jnp.int32)
                nax = plsc.bitcast(xi | jnp.int32(-(2**31)), jnp.float32)
                e = jnp.exp(nax)
                p = jnp.full((_L,), _LOG1P_C[_DEG], jnp.float32)
                for k in range(_DEG - 1, -1, -1):
                    p = p * e + _LOG1P_C[k]
                loss = jnp.maximum(xv, 0.0) - xv * tv + p
                inv = 1.0 / (1.0 + e)
                tt = jnp.where(xv >= 0.0, tv, 1.0 - tv)
                g = jnp.abs(inv - tt)
                idx = (g * jnp.float32(_BINS)).astype(jnp.int32)
                fi = idx * _L + lane
                plsc.addupdate_scatter(tab_ls, [fi], loss)
                plsc.addupdate_scatter(tab_cnt, [fi], ones)

        start(0, xb0, tb0, sx0, st0)

        def outer(k, carry):
            start(2 * k + 1, xb1, tb1, sx1, st1)
            wait(xb0, tb0, sx0, st0)
            compute(xb0, tb0)

            @pl.when(k < _NCHUNK // 2 - 1)
            def _pre():
                start(2 * k + 2, xb0, tb0, sx0, st0)

            wait(xb1, tb1, sx1, st1)
            compute(xb1, tb1)
            return carry

        lax.fori_loop(0, _NCHUNK // 2, outer, 0)
        pltpu.sync_copy(tab_ls, out_hbm.at[wid, 0])
        pltpu.sync_copy(tab_cnt, out_hbm.at[wid, 1])

    return _sc_hist


_sc_call = _make_sc_call()


def kernel(x, target):
    parts = _sc_call(x, target).reshape(_NW, 2, 16, _L)
    ls = jnp.sum(parts[:, 0], axis=(0, 2))[:_BINS]
    cnt = jnp.sum(parts[:, 1], axis=(0, 2))[:_BINS]
    tot = jnp.clip(cnt, 1.0, None)
    w = tot ** (-_ALPHA)
    return jnp.sum(ls * w) / _N

# --- scband reference (transcript-rebuilt; emitter-appended) ---
"""Pipeline reference for scband-ghmcloss-16183436771678 (READ-ONLY COPY).

The authoritative reference and input builder live on the scoring server;
editing this copy changes nothing except your own understanding.
"""

import jax, jax.numpy as jnp
import numpy as np

BINS = 10
ALPHA = 0.75
N = 16777216


def setup_inputs(seed: int = 0) -> dict:
    key = jax.random.key(seed)
    k1, k2 = jax.random.split(key)
    x = jax.random.normal(k1, (N,), dtype=jnp.float32)
    target = jax.random.uniform(k2, (N,), dtype=jnp.float32)
    return {"x": x, "target": target}


def _bce_with_logits(x, t):
    # numerically stable binary_cross_entropy_with_logits, reduction='none'
    return jnp.maximum(x, 0.0) - x * t + jnp.log1p(jnp.exp(-jnp.abs(x)))


def reference(x, target):
    bins = BINS
    alpha = ALPHA
    edges = jnp.arange(0, bins + 1).astype(jnp.float32) / bins
    pred = jax.nn.sigmoid(x)
    loss = _bce_with_logits(x, target)
    g = jnp.abs(pred - target)
    g_norm = jnp.abs(g)
    # histogram of gradient norms into `bins` bins (matches the torch loop exactly,
    # including the half-open interval [edges[i], edges[i+1]) semantics)
    tot = jnp.zeros((bins,), dtype=jnp.float32)
    for i in range(bins):
        inds = (g_norm >= edges[i]) & (g_norm < edges[i + 1])
        tot = tot.at[i].set(jnp.sum(inds).astype(jnp.float32))
    tot = jnp.clip(tot, 1.0, None)
    w = tot ** (-alpha)
    # torch computes counts via .item() -> weights are constants in backward
    w = jax.lax.stop_gradient(w)
    bin_idx = jnp.clip(jnp.floor(g * bins).astype(jnp.int32), 0, bins - 1)
    sample_weights = w[bin_idx]
    weighted_loss = loss * sample_weights
    return jnp.mean(weighted_loss)

if __name__ == "__main__":
    import jax
    _d = setup_inputs()
    print(jax.jit(kernel)(*tuple(_d.values())))

</pallas_src>

<mosaic_0001>
#map = affine_map<(d0, d1) -> (0)>
#map1 = affine_map<(d0, d1) -> (0, 0, 0)>
module attributes {stable_mosaic.version = 14 : i64} {
  func.func @_sc_hist(%arg0: i32, %arg1: i32, %arg2: memref<16777216xf32, #tpu.memory_space<hbm>>, %arg3: memref<16777216xf32, #tpu.memory_space<hbm>>, %arg4: memref<32x2x256xf32, #tpu.memory_space<hbm>>, %arg5: memref<16384xf32, #tpu.memory_space<vmem>>, %arg6: memref<16384xf32, #tpu.memory_space<vmem>>, %arg7: memref<16384xf32, #tpu.memory_space<vmem>>, %arg8: memref<16384xf32, #tpu.memory_space<vmem>>, %arg9: memref<256xf32, #tpu.memory_space<vmem>>, %arg10: memref<256xf32, #tpu.memory_space<vmem>>, %arg11: memref<!tpu.dma_semaphore, #tpu.memory_space<semaphore_mem>>, %arg12: memref<!tpu.dma_semaphore, #tpu.memory_space<semaphore_mem>>, %arg13: memref<!tpu.dma_semaphore, #tpu.memory_space<semaphore_mem>>, %arg14: memref<!tpu.dma_semaphore, #tpu.memory_space<semaphore_mem>>) attributes {dimension_semantics = [#tpu.dimension_semantics<core_parallel>, #tpu.dimension_semantics<subcore_parallel>], iteration_bounds = array<i64: 2, 16>, scalar_prefetch = 0 : i64, scratch_operands = 10 : i64, tpu.core_type = #tpu.core_type<sc_vector_subcore>, window_params = [{transform_indices = #map}, {transform_indices = #map}, {transform_indices = #map1}]} {
    %mul3A = arith.constant 2 : i32
    %mul3A_0 = arith.muli %arg1, %mul3A : i32
    %add3A = arith.addi %mul3A_0, %arg0 : i32
    %mul3A_1 = arith.constant 524288 : i32
    %mul3A_2 = arith.muli %add3A, %mul3A_1 : i32
    %broadcast_in_dim3A = arith.constant 0.000000e+00 : f32
    %broadcast_in_dim3A_3 = vector.broadcast %broadcast_in_dim3A : f32 to vector<16xf32>
    %swap3A = arith.constant 0 : index
    %swap3A_4 = tpu.vector_load %arg9[%swap3A] {strides = array<i32>} : memref<256xf32, #tpu.memory_space<vmem>>, vector<16xf32>,
    tpu.vector_store %arg9[%swap3A], %broadcast_in_dim3A_3 {strides = array<i32>} : memref<256xf32, #tpu.memory_space<vmem>>, vector<16xf32>,
    %swap3A_5 = arith.constant 0 : index
    %swap3A_6 = tpu.vector_load %arg10[%swap3A_5] {strides = array<i32>} : memref<256xf32, #tpu.memory_space<vmem>>, vector<16xf32>,
    tpu.vector_store %arg10[%swap3A_5], %broadcast_in_dim3A_3 {strides = array<i32>} : memref<256xf32, #tpu.memory_space<vmem>>, vector<16xf32>,
    %swap3A_7 = arith.constant 16 : index
    %swap3A_8 = tpu.vector_load %arg9[%swap3A_7] {strides = array<i32>} : memref<256xf32, #tpu.memory_space<vmem>>, vector<16xf32>,
    tpu.vector_store %arg9[%swap3A_7], %broadcast_in_dim3A_3 {strides = array<i32>} : memref<256xf32, #tpu.memory_space<vmem>>, vector<16xf32>,
    %swap3A_9 = arith.constant 16 : index
    %swap3A_10 = tpu.vector_load %arg10[%swap3A_9] {strides = array<i32>} : memref<256xf32, #tpu.memory_space<vmem>>, vector<16xf32>,
    tpu.vector_store %arg10[%swap3A_9], %broadcast_in_dim3A_3 {strides = array<i32>} : memref<256xf32, #tpu.memory_space<vmem>>, vector<16xf32>,
    %swap3A_11 = arith.constant 32 : index
    %swap3A_12 = tpu.vector_load %arg9[%swap3A_11] {strides = array<i32>} : memref<256xf32, #tpu.memory_space<vmem>>, vector<16xf32>,
    tpu.vector_store %arg9[%swap3A_11], %broadcast_in_dim3A_3 {strides = array<i32>} : memref<256xf32, #tpu.memory_space<vmem>>, vector<16xf32>,
    %swap3A_13 = arith.constant 32 : index
    %swap3A_14 = tpu.vector_load %arg10[%swap3A_13] {strides = array<i32>} : memref<256xf32, #tpu.memory_space<vmem>>, vector<16xf32>,
    tpu.vector_store %arg10[%swap3A_13], %broadcast_in_dim3A_3 {strides = array<i32>} : memref<256xf32, #tpu.memory_space<vmem>>, vector<16xf32>,
    %swap3A_15 = arith.constant 48 : index
    %swap3A_16 = tpu.vector_load %arg9[%swap3A_15] {strides = array<i32>} : memref<256xf32, #tpu.memory_space<vmem>>, vector<16xf32>,
    tpu.vector_store %arg9[%swap3A_15], %broadcast_in_dim3A_3 {strides = array<i32>} : memref<256xf32, #tpu.memory_space<vmem>>, vector<16xf32>,
    %swap3A_17 = arith.constant 48 : index
    %swap3A_18 = tpu.vector_load %arg10[%swap3A_17] {strides = array<i32>} : memref<256xf32, #tpu.memory_space<vmem>>, vector<16xf32>,
    tpu.vector_store %arg10[%swap3A_17], %broadcast_in_dim3A_3 {strides = array<i32>} : memref<256xf32, #tpu.memory_space<vmem>>, vector<16xf32>,
    %swap3A_19 = arith.constant 64 : index
    %swap3A_20 = tpu.vector_load %arg9[%swap3A_19] {strides = array<i32>} : memref<256xf32, #tpu.memory_space<vmem>>, vector<16xf32>,
    tpu.vector_store %arg9[%swap3A_19], %broadcast_in_dim3A_3 {strides = array<i32>} : memref<256xf32, #tpu.memory_space<vmem>>, vector<16xf32>,
    %swap3A_21 = arith.constant 64 : index
    %swap3A_22 = tpu.vector_load %arg10[%swap3A_21] {strides = array<i32>} : memref<256xf32, #tpu.memory_space<vmem>>, vector<16xf32>,
    tpu.vector_store %arg10[%swap3A_21], %broadcast_in_dim3A_3 {strides = array<i32>} : memref<256xf32, #tpu.memory_space<vmem>>, vector<16xf32>,
    %swap3A_23 = arith.constant 80 : index
    %swap3A_24 = tpu.vector_load %arg9[%swap3A_23] {strides = array<i32>} : memref<256xf32, #tpu.memory_space<vmem>>, vector<16xf32>,
    tpu.vector_store %arg9[%swap3A_23], %broadcast_in_dim3A_3 {strides = array<i32>} : memref<256xf32, #tpu.memory_space<vmem>>, vector<16xf32>,
    %swap3A_25 = arith.constant 80 : index
    %swap3A_26 = tpu.vector_load %arg10[%swap3A_25] {strides = array<i32>} : memref<256xf32, #tpu.memory_space<vmem>>, vector<16xf32>,
    tpu.vector_store %arg10[%swap3A_25], %broadcast_in_dim3A_3 {strides = array<i32>} : memref<256xf32, #tpu.memory_space<vmem>>, vector<16xf32>,
    %swap3A_27 = arith.constant 96 : index
    %swap3A_28 = tpu.vector_load %arg9[%swap3A_27] {strides = array<i32>} : memref<256xf32, #tpu.memory_space<vmem>>, vector<16xf32>,
    tpu.vector_store %arg9[%swap3A_27], %broadcast_in_dim3A_3 {strides = array<i32>} : memref<256xf32, #tpu.memory_space<vmem>>, vector<16xf32>,
    %swap3A_29 = arith.constant 96 : index
    %swap3A_30 = tpu.vector_load %arg10[%swap3A_29] {strides = array<i32>} : memref<256xf32, #tpu.memory_space<vmem>>, vector<16xf32>,
    tpu.vector_store %arg10[%swap3A_29], %broadcast_in_dim3A_3 {strides = array<i32>} : memref<256xf32, #tpu.memory_space<vmem>>, vector<16xf32>,
    %swap3A_31 = arith.constant 112 : index
    %swap3A_32 = tpu.vector_load %arg9[%swap3A_31] {strides = array<i32>} : memref<256xf32, #tpu.memory_space<vmem>>, vector<16xf32>,
    tpu.vector_store %arg9[%swap3A_31], %broadcast_in_dim3A_3 {strides = array<i32>} : memref<256xf32, #tpu.memory_space<vmem>>, vector<16xf32>,
    %swap3A_33 = arith.constant 112 : index
    %swap3A_34 = tpu.vector_load %arg10[%swap3A_33] {strides = array<i32>} : memref<256xf32, #tpu.memory_space<vmem>>, vector<16xf32>,
    tpu.vector_store %arg10[%swap3A_33], %broadcast_in_dim3A_3 {strides = array<i32>} : memref<256xf32, #tpu.memory_space<vmem>>, vector<16xf32>,
    %swap3A_35 = arith.constant 128 : index
    %swap3A_36 = tpu.vector_load %arg9[%swap3A_35] {strides = array<i32>} : memref<256xf32, #tpu.memory_space<vmem>>, vector<16xf32>,
    tpu.vector_store %arg9[%swap3A_35], %broadcast_in_dim3A_3 {strides = array<i32>} : memref<256xf32, #tpu.memory_space<vmem>>, vector<16xf32>,
    %swap3A_37 = arith.constant 128 : index
    %swap3A_38 = tpu.vector_load %arg10[%swap3A_37] {strides = array<i32>} : memref<256xf32, #tpu.memory_space<vmem>>, vector<16xf32>,
    tpu.vector_store %arg10[%swap3A_37], %broadcast_in_dim3A_3 {strides = array<i32>} : memref<256xf32, #tpu.memory_space<vmem>>, vector<16xf32>,
    %swap3A_39 = arith.constant 144 : index
    %swap3A_40 = tpu.vector_load %arg9[%swap3A_39] {strides = array<i32>} : memref<256xf32, #tpu.memory_space<vmem>>, vector<16xf32>,
    tpu.vector_store %arg9[%swap3A_39], %broadcast_in_dim3A_3 {strides = array<i32>} : memref<256xf32, #tpu.memory_space<vmem>>, vector<16xf32>,
    %swap3A_41 = arith.constant 144 : index
    %swap3A_42 = tpu.vector_load %arg10[%swap3A_41] {strides = array<i32>} : memref<256xf32, #tpu.memory_space<vmem>>, vector<16xf32>,
    tpu.vector_store %arg10[%swap3A_41], %broadcast_in_dim3A_3 {strides = array<i32>} : memref<256xf32, #tpu.memory_space<vmem>>, vector<16xf32>,
    %swap3A_43 = arith.constant 160 : index
    %swap3A_44 = tpu.vector_load %arg9[%swap3A_43] {strides = array<i32>} : memref<256xf32, #tpu.memory_space<vmem>>, vector<16xf32>,
    tpu.vector_store %arg9[%swap3A_43], %broadcast_in_dim3A_3 {strides = array<i32>} : memref<256xf32, #tpu.memory_space<vmem>>, vector<16xf32>,
    %swap3A_45 = arith.constant 160 : index
    %swap3A_46 = tpu.vector_load %arg10[%swap3A_45] {strides = array<i32>} : memref<256xf32, #tpu.memory_space<vmem>>, vector<16xf32>,
    tpu.vector_store %arg10[%swap3A_45], %broadcast_in_dim3A_3 {strides = array<i32>} : memref<256xf32, #tpu.memory_space<vmem>>, vector<16xf32>,
    %swap3A_47 = arith.constant 176 : index
    %swap3A_48 = tpu.vector_load %arg9[%swap3A_47] {strides = array<i32>} : memref<256xf32, #tpu.memory_space<vmem>>, vector<16xf32>,
    tpu.vector_store %arg9[%swap3A_47], %broadcast_in_dim3A_3 {strides = array<i32>} : memref<256xf32, #tpu.memory_space<vmem>>, vector<16xf32>,
    %swap3A_49 = arith.constant 176 : index
    %swap3A_50 = tpu.vector_load %arg10[%swap3A_49] {strides = array<i32>} : memref<256xf32, #tpu.memory_space<vmem>>, vector<16xf32>,
    tpu.vector_store %arg10[%swap3A_49], %broadcast_in_dim3A_3 {strides = array<i32>} : memref<256xf32, #tpu.memory_space<vmem>>, vector<16xf32>,
    %swap3A_51 = arith.constant 192 : index
    %swap3A_52 = tpu.vector_load %arg9[%swap3A_51] {strides = array<i32>} : memref<256xf32, #tpu.memory_space<vmem>>, vector<16xf32>,
    tpu.vector_store %arg9[%swap3A_51], %broadcast_in_dim3A_3 {strides = array<i32>} : memref<256xf32, #tpu.memory_space<vmem>>, vector<16xf32>,
    %swap3A_53 = arith.constant 192 : index
    %swap3A_54 = tpu.vector_load %arg10[%swap3A_53] {strides = array<i32>} : memref<256xf32, #tpu.memory_space<vmem>>, vector<16xf32>,
    tpu.vector_store %arg10[%swap3A_53], %broadcast_in_dim3A_3 {strides = array<i32>} : memref<256xf32, #tpu.memory_space<vmem>>, vector<16xf32>,
    %swap3A_55 = arith.constant 208 : index
    %swap3A_56 = tpu.vector_load %arg9[%swap3A_55] {strides = array<i32>} : memref<256xf32, #tpu.memory_space<vmem>>, vector<16xf32>,
    tpu.vector_store %arg9[%swap3A_55], %broadcast_in_dim3A_3 {strides = array<i32>} : memref<256xf32, #tpu.memory_space<vmem>>, vector<16xf32>,
    %swap3A_57 = arith.constant 208 : index
    %swap3A_58 = tpu.vector_load %arg10[%swap3A_57] {strides = array<i32>} : memref<256xf32, #tpu.memory_space<vmem>>, vector<16xf32>,
    tpu.vector_store %arg10[%swap3A_57], %broadcast_in_dim3A_3 {strides = array<i32>} : memref<256xf32, #tpu.memory_space<vmem>>, vector<16xf32>,
    %swap3A_59 = arith.constant 224 : index
    %swap3A_60 = tpu.vector_load %arg9[%swap3A_59] {strides = array<i32>} : memref<256xf32, #tpu.memory_space<vmem>>, vector<16xf32>,
    tpu.vector_store %arg9[%swap3A_59], %broadcast_in_dim3A_3 {strides = array<i32>} : memref<256xf32, #tpu.memory_space<vmem>>, vector<16xf32>,
    %swap3A_61 = arith.constant 224 : index
    %swap3A_62 = tpu.vector_load %arg10[%swap3A_61] {strides = array<i32>} : memref<256xf32, #tpu.memory_space<vmem>>, vector<16xf32>,
    tpu.vector_store %arg10[%swap3A_61], %broadcast_in_dim3A_3 {strides = array<i32>} : memref<256xf32, #tpu.memory_space<vmem>>, vector<16xf32>,
    %swap3A_63 = arith.constant 240 : index
    %swap3A_64 = tpu.vector_load %arg9[%swap3A_63] {strides = array<i32>} : memref<256xf32, #tpu.memory_space<vmem>>, vector<16xf32>,
    tpu.vector_store %arg9[%swap3A_63], %broadcast_in_dim3A_3 {strides = array<i32>} : memref<256xf32, #tpu.memory_space<vmem>>, vector<16xf32>,
    %swap3A_65 = arith.constant 240 : index
    %swap3A_66 = tpu.vector_load %arg10[%swap3A_65] {strides = array<i32>} : memref<256xf32, #tpu.memory_space<vmem>>, vector<16xf32>,
    tpu.vector_store %arg10[%swap3A_65], %broadcast_in_dim3A_3 {strides = array<i32>} : memref<256xf32, #tpu.memory_space<vmem>>, vector<16xf32>,
    %iota3A = tpu.iota {dimensions = array<i32: 0>} : vector<16xi32>
    %broadcast_in_dim3A_67 = arith.constant 1.000000e+00 : f32
    %broadcast_in_dim3A_68 = vector.broadcast %broadcast_in_dim3A_67 : f32 to vector<16xf32>
    %add3A_69 = arith.constant 0 : i32
    %add3A_70 = arith.addi %mul3A_2, %add3A_69 : i32
    %dma_start3A = tpu.memref_slice %arg2[%add3A_70] : memref<16777216xf32, #tpu.memory_space<hbm>> -> memref<16384xf32, #tpu.memory_space<hbm>>
    %dma_start3A_71 = tpu.memref_slice %arg2[%add3A_70] : memref<16777216xf32, #tpu.memory_space<hbm>> -> memref<16384xf32, #tpu.memory_space<hbm>>
    tpu.enqueue_dma source(%dma_start3A_71 : memref<16384xf32, #tpu.memory_space<hbm>>) target(%arg5 : memref<16384xf32, #tpu.memory_space<vmem>>) target_semaphore(%arg11 : memref<!tpu.dma_semaphore, #tpu.memory_space<semaphore_mem>>)
    %dma_start3A_72 = tpu.memref_slice %arg3[%add3A_70] : memref<16777216xf32, #tpu.memory_space<hbm>> -> memref<16384xf32, #tpu.memory_space<hbm>>
    %dma_start3A_73 = tpu.memref_slice %arg3[%add3A_70] : memref<16777216xf32, #tpu.memory_space<hbm>> -> memref<16384xf32, #tpu.memory_space<hbm>>
    tpu.enqueue_dma source(%dma_start3A_73 : memref<16384xf32, #tpu.memory_space<hbm>>) target(%arg7 : memref<16384xf32, #tpu.memory_space<vmem>>) target_semaphore(%arg13 : memref<!tpu.dma_semaphore, #tpu.memory_space<semaphore_mem>>)
    %scan3A = arith.constant 0 : i32
    %scan3A_74 = arith.constant 0 : i32
    %scan3A_75 = arith.constant 16 : i32
    %scan3A_76 = arith.addi %scan3A_74, %scan3A_75 : i32
    %scan3A_77 = arith.constant 1 : i32
    scf.for %scan3A_80 = %scan3A_74 to %scan3A_76 step %scan3A_77  : i32 {
      %mul3A_81 = arith.constant 2 : i32
      %mul3A_82 = arith.muli %mul3A_81, %scan3A_80 : i32
      %add3A_83 = arith.constant 1 : i32
      %add3A_84 = arith.addi %mul3A_82, %add3A_83 : i32
      %mul3A_85 = arith.constant 16384 : i32
      %mul3A_86 = arith.muli %add3A_84, %mul3A_85 : i32
      %add3A_87 = arith.addi %mul3A_2, %mul3A_86 : i32
      %dma_start3A_88 = tpu.memref_slice %arg2[%add3A_87] : memref<16777216xf32, #tpu.memory_space<hbm>> -> memref<16384xf32, #tpu.memory_space<hbm>>
      %dma_start3A_89 = tpu.memref_slice %arg2[%add3A_87] : memref<16777216xf32, #tpu.memory_space<hbm>> -> memref<16384xf32, #tpu.memory_space<hbm>>
      tpu.enqueue_dma source(%dma_start3A_89 : memref<16384xf32, #tpu.memory_space<hbm>>) target(%arg6 : memref<16384xf32, #tpu.memory_space<vmem>>) target_semaphore(%arg12 : memref<!tpu.dma_semaphore, #tpu.memory_space<semaphore_mem>>)
      %dma_start3A_90 = tpu.memref_slice %arg3[%add3A_87] : memref<16777216xf32, #tpu.memory_space<hbm>> -> memref<16384xf32, #tpu.memory_space<hbm>>
      %dma_start3A_91 = tpu.memref_slice %arg3[%add3A_87] : memref<16777216xf32, #tpu.memory_space<hbm>> -> memref<16384xf32, #tpu.memory_space<hbm>>
      tpu.enqueue_dma source(%dma_start3A_91 : memref<16384xf32, #tpu.memory_space<hbm>>) target(%arg8 : memref<16384xf32, #tpu.memory_space<vmem>>) target_semaphore(%arg14 : memref<!tpu.dma_semaphore, #tpu.memory_space<semaphore_mem>>)
      %dma_wait3A = arith.constant 0 : i32
      %dma_wait3A_92 = tpu.memref_slice %arg2[%dma_wait3A] : memref<16777216xf32, #tpu.memory_space<hbm>> -> memref<16384xf32, #tpu.memory_space<hbm>>
      %dma_wait3A_93 = arith.constant 0 : i32
      %dma_wait3A_94 = tpu.memref_slice %arg2[%dma_wait3A_93] : memref<16777216xf32, #tpu.memory_space<hbm>> -> memref<16384xf32, #tpu.memory_space<hbm>>
      tpu.wait_dma2 semaphore(%arg11 : memref<!tpu.dma_semaphore, #tpu.memory_space<semaphore_mem>>) src(%dma_wait3A_94 : memref<16384xf32, #tpu.memory_space<hbm>>) dst(%arg5 : memref<16384xf32, #tpu.memory_space<vmem>>)
      %dma_wait3A_95 = arith.constant 0 : i32
      %dma_wait3A_96 = tpu.memref_slice %arg3[%dma_wait3A_95] : memref<16777216xf32, #tpu.memory_space<hbm>> -> memref<16384xf32, #tpu.memory_space<hbm>>
      %dma_wait3A_97 = arith.constant 0 : i32
      %dma_wait3A_98 = tpu.memref_slice %arg3[%dma_wait3A_97] : memref<16777216xf32, #tpu.memory_space<hbm>> -> memref<16384xf32, #tpu.memory_space<hbm>>
      tpu.wait_dma2 semaphore(%arg13 : memref<!tpu.dma_semaphore, #tpu.memory_space<semaphore_mem>>) src(%dma_wait3A_98 : memref<16384xf32, #tpu.memory_space<hbm>>) dst(%arg7 : memref<16384xf32, #tpu.memory_space<vmem>>)
      %parallel_loop3A = arith.constant 0 : i32
      %parallel_loop3A_99 = arith.constant 1024 : i32
      %parallel_loop3A_100 = arith.constant 1 : i32
      scf.for %parallel_loop3A_114 = %parallel_loop3A to %parallel_loop3A_99 step %parallel_loop3A_100  : i32 {
        %parallel_loop3A_115 = arith.constant 16 : i32
        %parallel_loop3A_116 = arith.muli %parallel_loop3A_114, %parallel_loop3A_115 : i32
        %parallel_loop3A_117 = arith.index_cast %parallel_loop3A_116 : i32 to index
        %parallel_loop3A_118 = tpu.vector_load %arg5[%parallel_loop3A_117] {strides = array<i32>} : memref<16384xf32, #tpu.memory_space<vmem>>, vector<16xf32>,
        %parallel_loop3A_119 = arith.index_cast %parallel_loop3A_116 : i32 to index
        %parallel_loop3A_120 = tpu.vector_load %arg7[%parallel_loop3A_119] {strides = array<i32>} : memref<16384xf32, #tpu.memory_space<vmem>>, vector<16xf32>,
        %parallel_loop3A_121 = vector.bitcast %parallel_loop3A_118 : vector<16xf32> to vector<16xi32>
        %parallel_loop3A_122 = arith.constant -2147483648 : i32
        %parallel_loop3A_123 = vector.broadcast %parallel_loop3A_122 : i32 to vector<16xi32>
        %parallel_loop3A_124 = arith.ori %parallel_loop3A_121, %parallel_loop3A_123 : vector<16xi32>
        %parallel_loop3A_125 = vector.bitcast %parallel_loop3A_124 : vector<16xi32> to vector<16xf32>
        %parallel_loop3A_126 = math.exp %parallel_loop3A_125 : vector<16xf32>
        %parallel_loop3A_127 = arith.constant 0.106683962 : f32
        %parallel_loop3A_128 = vector.broadcast %parallel_loop3A_127 : f32 to vector<16xf32>
        %parallel_loop3A_129 = arith.mulf %parallel_loop3A_128, %parallel_loop3A_126 : vector<16xf32>
        %parallel_loop3A_130 = arith.constant -0.393533558 : f32
        %parallel_loop3A_131 = vector.broadcast %parallel_loop3A_130 : f32 to vector<16xf32>
        %parallel_loop3A_132 = arith.addf %parallel_loop3A_129, %parallel_loop3A_131 : vector<16xf32>
        %parallel_loop3A_133 = arith.mulf %parallel_loop3A_132, %parallel_loop3A_126 : vector<16xf32>
        %parallel_loop3A_134 = arith.constant 0.979751825 : f32
        %parallel_loop3A_135 = vector.broadcast %parallel_loop3A_134 : f32 to vector<16xf32>
        %parallel_loop3A_136 = arith.addf %parallel_loop3A_133, %parallel_loop3A_135 : vector<16xf32>
        %parallel_loop3A_137 = arith.mulf %parallel_loop3A_136, %parallel_loop3A_126 : vector<16xf32>
        %parallel_loop3A_138 = arith.constant 9.25303961E-4 : f32
        %parallel_loop3A_139 = vector.broadcast %parallel_loop3A_138 : f32 to vector<16xf32>
        %parallel_loop3A_140 = arith.addf %parallel_loop3A_137, %parallel_loop3A_139 : vector<16xf32>
        %parallel_loop3A_141 = arith.constant 0.000000e+00 : f32
        %parallel_loop3A_142 = vector.broadcast %parallel_loop3A_141 : f32 to vector<16xf32>
        %parallel_loop3A_143 = arith.maximumf %parallel_loop3A_118, %parallel_loop3A_142 : vector<16xf32>
        %parallel_loop3A_144 = arith.mulf %parallel_loop3A_118, %parallel_loop3A_120 : vector<16xf32>
        %parallel_loop3A_145 = arith.subf %parallel_loop3A_143, %parallel_loop3A_144 : vector<16xf32>
        %parallel_loop3A_146 = arith.addf %parallel_loop3A_145, %parallel_loop3A_140 : vector<16xf32>
        %parallel_loop3A_147 = arith.constant 1.000000e+00 : f32
        %parallel_loop3A_148 = vector.broadcast %parallel_loop3A_147 : f32 to vector<16xf32>
        %parallel_loop3A_149 = arith.addf %parallel_loop3A_148, %parallel_loop3A_126 : vector<16xf32>
        %parallel_loop3A_150 = arith.constant 1.000000e+00 : f32
        %parallel_loop3A_151 = vector.broadcast %parallel_loop3A_150 : f32 to vector<16xf32>
        %parallel_loop3A_152 = arith.divf %parallel_loop3A_151, %parallel_loop3A_149 : vector<16xf32>
        %parallel_loop3A_153 = arith.constant 0.000000e+00 : f32
        %parallel_loop3A_154 = vector.broadcast %parallel_loop3A_153 : f32 to vector<16xf32>
        %parallel_loop3A_155 = arith.cmpf oge, %parallel_loop3A_118, %parallel_loop3A_154 : vector<16xf32>
        %parallel_loop3A_156 = arith.constant 1.000000e+00 : f32
        %parallel_loop3A_157 = vector.broadcast %parallel_loop3A_156 : f32 to vector<16xf32>
        %parallel_loop3A_158 = arith.subf %parallel_loop3A_157, %parallel_loop3A_120 : vector<16xf32>
        %parallel_loop3A_159 = arith.select %parallel_loop3A_155, %parallel_loop3A_120, %parallel_loop3A_158 : vector<16xi1>, vector<16xf32>
        %parallel_loop3A_160 = arith.subf %parallel_loop3A_152, %parallel_loop3A_159 : vector<16xf32>
        %parallel_loop3A_161 = math.absf %parallel_loop3A_160 : vector<16xf32>
        %parallel_loop3A_162 = arith.constant 1.000000e+01 : f32
        %parallel_loop3A_163 = vector.broadcast %parallel_loop3A_162 : f32 to vector<16xf32>
        %parallel_loop3A_164 = arith.mulf %parallel_loop3A_161, %parallel_loop3A_163 : vector<16xf32>
        %parallel_loop3A_165 = arith.fptosi %parallel_loop3A_164 : vector<16xf32> to vector<16xi32>
        %parallel_loop3A_166 = arith.constant 16 : i32
        %parallel_loop3A_167 = vector.broadcast %parallel_loop3A_166 : i32 to vector<16xi32>
        %parallel_loop3A_168 = arith.muli %parallel_loop3A_165, %parallel_loop3A_167 : vector<16xi32>
        %parallel_loop3A_169 = arith.addi %parallel_loop3A_168, %iota3A : vector<16xi32>
        tpu.vector_store_idx %arg9[%parallel_loop3A_169], %parallel_loop3A_146 {add = true} : memref<256xf32, #tpu.memory_space<vmem>>[vector<16xi32>], vector<16xf32>,
        tpu.vector_store_idx %arg10[%parallel_loop3A_169], %broadcast_in_dim3A_68 {add = true} : memref<256xf32, #tpu.memory_space<vmem>>[vector<16xi32>], vector<16xf32>,
      } {sc.loop_unroll_factor = 8 : i64, sc.parallel_access}
      %lt3A = arith.constant 15 : i32
      %lt3A_101 = arith.cmpi slt, %scan3A_80, %lt3A : i32
      %convert_element_type3A = arith.extui %lt3A_101 : i1 to i32
      %cond3A = arith.constant 0 : i32
      %cond3A_102 = arith.cmpi ne, %convert_element_type3A, %cond3A : i32
      scf.if %cond3A_102 {
        %mul3A_114 = arith.constant 2 : i32
        %mul3A_115 = arith.muli %mul3A_114, %scan3A_80 : i32
        %add3A_116 = arith.constant 2 : i32
        %add3A_117 = arith.addi %mul3A_115, %add3A_116 : i32
        %mul3A_118 = arith.constant 16384 : i32
        %mul3A_119 = arith.muli %add3A_117, %mul3A_118 : i32
        %add3A_120 = arith.addi %mul3A_2, %mul3A_119 : i32
        %dma_start3A_121 = tpu.memref_slice %arg2[%add3A_120] : memref<16777216xf32, #tpu.memory_space<hbm>> -> memref<16384xf32, #tpu.memory_space<hbm>>
        %dma_start3A_122 = tpu.memref_slice %arg2[%add3A_120] : memref<16777216xf32, #tpu.memory_space<hbm>> -> memref<16384xf32, #tpu.memory_space<hbm>>
        tpu.enqueue_dma source(%dma_start3A_122 : memref<16384xf32, #tpu.memory_space<hbm>>) target(%arg5 : memref<16384xf32, #tpu.memory_space<vmem>>) target_semaphore(%arg11 : memref<!tpu.dma_semaphore, #tpu.memory_space<semaphore_mem>>)
        %dma_start3A_123 = tpu.memref_slice %arg3[%add3A_120] : memref<16777216xf32, #tpu.memory_space<hbm>> -> memref<16384xf32, #tpu.memory_space<hbm>>
        %dma_start3A_124 = tpu.memref_slice %arg3[%add3A_120] : memref<16777216xf32, #tpu.memory_space<hbm>> -> memref<16384xf32, #tpu.memory_space<hbm>>
        tpu.enqueue_dma source(%dma_start3A_124 : memref<16384xf32, #tpu.memory_space<hbm>>) target(%arg7 : memref<16384xf32, #tpu.memory_space<vmem>>) target_semaphore(%arg13 : memref<!tpu.dma_semaphore, #tpu.memory_space<semaphore_mem>>)
      } else {
      }
      %dma_wait3A_103 = arith.constant 0 : i32
      %dma_wait3A_104 = tpu.memref_slice %arg2[%dma_wait3A_103] : memref<16777216xf32, #tpu.memory_space<hbm>> -> memref<16384xf32, #tpu.memory_space<hbm>>
      %dma_wait3A_105 = arith.constant 0 : i32
      %dma_wait3A_106 = tpu.memref_slice %arg2[%dma_wait3A_105] : memref<16777216xf32, #tpu.memory_space<hbm>> -> memref<16384xf32, #tpu.memory_space<hbm>>
      tpu.wait_dma2 semaphore(%arg12 : memref<!tpu.dma_semaphore, #tpu.memory_space<semaphore_mem>>) src(%dma_wait3A_106 : memref<16384xf32, #tpu.memory_space<hbm>>) dst(%arg6 : memref<16384xf32, #tpu.memory_space<vmem>>)
      %dma_wait3A_107 = arith.constant 0 : i32
      %dma_wait3A_108 = tpu.memref_slice %arg3[%dma_wait3A_107] : memref<16777216xf32, #tpu.memory_space<hbm>> -> memref<16384xf32, #tpu.memory_space<hbm>>
      %dma_wait3A_109 = arith.constant 0 : i32
      %dma_wait3A_110 = tpu.memref_slice %arg3[%dma_wait3A_109] : memref<16777216xf32, #tpu.memory_space<hbm>> -> memref<16384xf32, #tpu.memory_space<hbm>>
      tpu.wait_dma2 semaphore(%arg14 : memref<!tpu.dma_semaphore, #tpu.memory_space<semaphore_mem>>) src(%dma_wait3A_110 : memref<16384xf32, #tpu.memory_space<hbm>>) dst(%arg8 : memref<16384xf32, #tpu.memory_space<vmem>>)
      %parallel_loop3A_111 = arith.constant 0 : i32
      %parallel_loop3A_112 = arith.constant 1024 : i32
      %parallel_loop3A_113 = arith.constant 1 : i32
      scf.for %parallel_loop3A_114 = %parallel_loop3A_111 to %parallel_loop3A_112 step %parallel_loop3A_113  : i32 {
        %parallel_loop3A_115 = arith.constant 16 : i32
        %parallel_loop3A_116 = arith.muli %parallel_loop3A_114, %parallel_loop3A_115 : i32
        %parallel_loop3A_117 = arith.index_cast %parallel_loop3A_116 : i32 to index
        %parallel_loop3A_118 = tpu.vector_load %arg6[%parallel_loop3A_117] {strides = array<i32>} : memref<16384xf32, #tpu.memory_space<vmem>>, vector<16xf32>,
        %parallel_loop3A_119 = arith.index_cast %parallel_loop3A_116 : i32 to index
        %parallel_loop3A_120 = tpu.vector_load %arg8[%parallel_loop3A_119] {strides = array<i32>} : memref<16384xf32, #tpu.memory_space<vmem>>, vector<16xf32>,
        %parallel_loop3A_121 = vector.bitcast %parallel_loop3A_118 : vector<16xf32> to vector<16xi32>
        %parallel_loop3A_122 = arith.constant -2147483648 : i32
        %parallel_loop3A_123 = vector.broadcast %parallel_loop3A_122 : i32 to vector<16xi32>
        %parallel_loop3A_124 = arith.ori %parallel_loop3A_121, %parallel_loop3A_123 : vector<16xi32>
        %parallel_loop3A_125 = vector.bitcast %parallel_loop3A_124 : vector<16xi32> to vector<16xf32>
        %parallel_loop3A_126 = math.exp %parallel_loop3A_125 : vector<16xf32>
        %parallel_loop3A_127 = arith.constant 0.106683962 : f32
        %parallel_loop3A_128 = vector.broadcast %parallel_loop3A_127 : f32 to vector<16xf32>
        %parallel_loop3A_129 = arith.mulf %parallel_loop3A_128, %parallel_loop3A_126 : vector<16xf32>
        %parallel_loop3A_130 = arith.constant -0.393533558 : f32
        %parallel_loop3A_131 = vector.broadcast %parallel_loop3A_130 : f32 to vector<16xf32>
        %parallel_loop3A_132 = arith.addf %parallel_loop3A_129, %parallel_loop3A_131 : vector<16xf32>
        %parallel_loop3A_133 = arith.mulf %parallel_loop3A_132, %parallel_loop3A_126 : vector<16xf32>
        %parallel_loop3A_134 = arith.constant 0.979751825 : f32
        %parallel_loop3A_135 = vector.broadcast %parallel_loop3A_134 : f32 to vector<16xf32>
        %parallel_loop3A_136 = arith.addf %parallel_loop3A_133, %parallel_loop3A_135 : vector<16xf32>
        %parallel_loop3A_137 = arith.mulf %parallel_loop3A_136, %parallel_loop3A_126 : vector<16xf32>
        %parallel_loop3A_138 = arith.constant 9.25303961E-4 : f32
        %parallel_loop3A_139 = vector.broadcast %parallel_loop3A_138 : f32 to vector<16xf32>
        %parallel_loop3A_140 = arith.addf %parallel_loop3A_137, %parallel_loop3A_139 : vector<16xf32>
        %parallel_loop3A_141 = arith.constant 0.000000e+00 : f32
        %parallel_loop3A_142 = vector.broadcast %parallel_loop3A_141 : f32 to vector<16xf32>
        %parallel_loop3A_143 = arith.maximumf %parallel_loop3A_118, %parallel_loop3A_142 : vector<16xf32>
        %parallel_loop3A_144 = arith.mulf %parallel_loop3A_118, %parallel_loop3A_120 : vector<16xf32>
        %parallel_loop3A_145 = arith.subf %parallel_loop3A_143, %parallel_loop3A_144 : vector<16xf32>
        %parallel_loop3A_146 = arith.addf %parallel_loop3A_145, %parallel_loop3A_140 : vector<16xf32>
        %parallel_loop3A_147 = arith.constant 1.000000e+00 : f32
        %parallel_loop3A_148 = vector.broadcast %parallel_loop3A_147 : f32 to vector<16xf32>
        %parallel_loop3A_149 = arith.addf %parallel_loop3A_148, %parallel_loop3A_126 : vector<16xf32>
        %parallel_loop3A_150 = arith.constant 1.000000e+00 : f32
        %parallel_loop3A_151 = vector.broadcast %parallel_loop3A_150 : f32 to vector<16xf32>
        %parallel_loop3A_152 = arith.divf %parallel_loop3A_151, %parallel_loop3A_149 : vector<16xf32>
        %parallel_loop3A_153 = arith.constant 0.000000e+00 : f32
        %parallel_loop3A_154 = vector.broadcast %parallel_loop3A_153 : f32 to vector<16xf32>
        %parallel_loop3A_155 = arith.cmpf oge, %parallel_loop3A_118, %parallel_loop3A_154 : vector<16xf32>
        %parallel_loop3A_156 = arith.constant 1.000000e+00 : f32
        %parallel_loop3A_157 = vector.broadcast %parallel_loop3A_156 : f32 to vector<16xf32>
        %parallel_loop3A_158 = arith.subf %parallel_loop3A_157, %parallel_loop3A_120 : vector<16xf32>
        %parallel_loop3A_159 = arith.select %parallel_loop3A_155, %parallel_loop3A_120, %parallel_loop3A_158 : vector<16xi1>, vector<16xf32>
        %parallel_loop3A_160 = arith.subf %parallel_loop3A_152, %parallel_loop3A_159 : vector<16xf32>
        %parallel_loop3A_161 = math.absf %parallel_loop3A_160 : vector<16xf32>
        %parallel_loop3A_162 = arith.constant 1.000000e+01 : f32
        %parallel_loop3A_163 = vector.broadcast %parallel_loop3A_162 : f32 to vector<16xf32>
        %parallel_loop3A_164 = arith.mulf %parallel_loop3A_161, %parallel_loop3A_163 : vector<16xf32>
        %parallel_loop3A_165 = arith.fptosi %parallel_loop3A_164 : vector<16xf32> to vector<16xi32>
        %parallel_loop3A_166 = arith.constant 16 : i32
        %parallel_loop3A_167 = vector.broadcast %parallel_loop3A_166 : i32 to vector<16xi32>
        %parallel_loop3A_168 = arith.muli %parallel_loop3A_165, %parallel_loop3A_167 : vector<16xi32>
        %parallel_loop3A_169 = arith.addi %parallel_loop3A_168, %iota3A : vector<16xi32>
        tpu.vector_store_idx %arg9[%parallel_loop3A_169], %parallel_loop3A_146 {add = true} : memref<256xf32, #tpu.memory_space<vmem>>[vector<16xi32>], vector<16xf32>,
        tpu.vector_store_idx %arg10[%parallel_loop3A_169], %broadcast_in_dim3A_68 {add = true} : memref<256xf32, #tpu.memory_space<vmem>>[vector<16xi32>], vector<16xf32>,
      } {sc.loop_unroll_factor = 8 : i64, sc.parallel_access}
    }
    %scan3A_78 = arith.constant 16 : i32
    %run_scoped3A = arith.constant 0 : i32
    "tpu.region"() ({
      %run_scoped3A_80 = tpu.sem_alloc : memref<!tpu.dma_semaphore, #tpu.memory_space<semaphore_mem>>
      %dma_start3A_81 = arith.constant 0 : i32
      %dma_start3A_82 = tpu.memref_slice %arg4[%add3A, %run_scoped3A, %dma_start3A_81] : memref<32x2x256xf32, #tpu.memory_space<hbm>> -> memref<1x1x256xf32, #tpu.memory_space<hbm>>
      %dma_start3A_83 = tpu.memref_squeeze %dma_start3A_82 : memref<1x1x256xf32, #tpu.memory_space<hbm>> -> memref<256xf32, #tpu.memory_space<hbm>>
      %dma_start3A_84 = arith.constant 0 : i32
      %dma_start3A_85 = tpu.memref_slice %arg4[%add3A, %run_scoped3A, %dma_start3A_84] : memref<32x2x256xf32, #tpu.memory_space<hbm>> -> memref<1x1x256xf32, #tpu.memory_space<hbm>>
      %dma_start3A_86 = tpu.memref_squeeze %dma_start3A_85 : memref<1x1x256xf32, #tpu.memory_space<hbm>> -> memref<256xf32, #tpu.memory_space<hbm>>
      tpu.enqueue_dma source(%arg9 : memref<256xf32, #tpu.memory_space<vmem>>) target(%dma_start3A_86 : memref<256xf32, #tpu.memory_space<hbm>>) target_semaphore(%run_scoped3A_80 : memref<!tpu.dma_semaphore, #tpu.memory_space<semaphore_mem>>)
      %dma_wait3A = arith.constant 0 : i32
      %dma_wait3A_87 = tpu.memref_slice %arg4[%add3A, %run_scoped3A, %dma_wait3A] : memref<32x2x256xf32, #tpu.memory_space<hbm>> -> memref<1x1x256xf32, #tpu.memory_space<hbm>>
      %dma_wait3A_88 = tpu.memref_squeeze %dma_wait3A_87 : memref<1x1x256xf32, #tpu.memory_space<hbm>> -> memref<256xf32, #tpu.memory_space<hbm>>
      %dma_wait3A_89 = arith.constant 0 : i32
      %dma_wait3A_90 = tpu.memref_slice %arg4[%add3A, %run_scoped3A, %dma_wait3A_89] : memref<32x2x256xf32, #tpu.memory_space<hbm>> -> memref<1x1x256xf32, #tpu.memory_space<hbm>>
      %dma_wait3A_91 = tpu.memref_squeeze %dma_wait3A_90 : memref<1x1x256xf32, #tpu.memory_space<hbm>> -> memref<256xf32, #tpu.memory_space<hbm>>
      tpu.wait_dma2 semaphore(%run_scoped3A_80 : memref<!tpu.dma_semaphore, #tpu.memory_space<semaphore_mem>>) src(%arg9 : memref<256xf32, #tpu.memory_space<vmem>>) dst(%dma_wait3A_91 : memref<256xf32, #tpu.memory_space<hbm>>)
      tpu.yield
    }) : () -> ()
    %run_scoped3A_79 = arith.constant 1 : i32
    "tpu.region"() ({
      %run_scoped3A_80 = tpu.sem_alloc : memref<!tpu.dma_semaphore, #tpu.memory_space<semaphore_mem>>
      %dma_start3A_81 = arith.constant 0 : i32
      %dma_start3A_82 = tpu.memref_slice %arg4[%add3A, %run_scoped3A_79, %dma_start3A_81] : memref<32x2x256xf32, #tpu.memory_space<hbm>> -> memref<1x1x256xf32, #tpu.memory_space<hbm>>
      %dma_start3A_83 = tpu.memref_squeeze %dma_start3A_82 : memref<1x1x256xf32, #tpu.memory_space<hbm>> -> memref<256xf32, #tpu.memory_space<hbm>>
      %dma_start3A_84 = arith.constant 0 : i32
      %dma_start3A_85 = tpu.memref_slice %arg4[%add3A, %run_scoped3A_79, %dma_start3A_84] : memref<32x2x256xf32, #tpu.memory_space<hbm>> -> memref<1x1x256xf32, #tpu.memory_space<hbm>>
      %dma_start3A_86 = tpu.memref_squeeze %dma_start3A_85 : memref<1x1x256xf32, #tpu.memory_space<hbm>> -> memref<256xf32, #tpu.memory_space<hbm>>
      tpu.enqueue_dma source(%arg10 : memref<256xf32, #tpu.memory_space<vmem>>) target(%dma_start3A_86 : memref<256xf32, #tpu.memory_space<hbm>>) target_semaphore(%run_scoped3A_80 : memref<!tpu.dma_semaphore, #tpu.memory_space<semaphore_mem>>)
      %dma_wait3A = arith.constant 0 : i32
      %dma_wait3A_87 = tpu.memref_slice %arg4[%add3A, %run_scoped3A_79, %dma_wait3A] : memref<32x2x256xf32, #tpu.memory_space<hbm>> -> memref<1x1x256xf32, #tpu.memory_space<hbm>>
      %dma_wait3A_88 = tpu.memref_squeeze %dma_wait3A_87 : memref<1x1x256xf32, #tpu.memory_space<hbm>> -> memref<256xf32, #tpu.memory_space<hbm>>
      %dma_wait3A_89 = arith.constant 0 : i32
      %dma_wait3A_90 = tpu.memref_slice %arg4[%add3A, %run_scoped3A_79, %dma_wait3A_89] : memref<32x2x256xf32, #tpu.memory_space<hbm>> -> memref<1x1x256xf32, #tpu.memory_space<hbm>>
      %dma_wait3A_91 = tpu.memref_squeeze %dma_wait3A_90 : memref<1x1x256xf32, #tpu.memory_space<hbm>> -> memref<256xf32, #tpu.memory_space<hbm>>
      tpu.wait_dma2 semaphore(%run_scoped3A_80 : memref<!tpu.dma_semaphore, #tpu.memory_space<semaphore_mem>>) src(%arg10 : memref<256xf32, #tpu.memory_space<vmem>>) dst(%dma_wait3A_91 : memref<256xf32, #tpu.memory_space<hbm>>)
      tpu.yield
    }) : () -> ()
    return
  }
}

</mosaic_0001>

<sc_bundles>
// kernel: kernel.3.cloned.1.call-start
scs
__scs_entry_jumppad:
0x0: {  	(pc) =	sbr.rel $0x88, $3  }
0x1: {  	(tag) =	ssettag $0x0;
	lr =	simm.s32 $0x1  }
0x2: {  	[smem:$0x3F9F] =	sst lr;
	_ =	strace $0xD0000000  }
0x3: {  	_ = 	snop  }
0x4: {  	_ = 	snop  }
0x5: {  	_ = 	snop  }
0x6: {  	_ = 	snop  }
0x7: {  	_ = 	snop  }
__scs_overlays_trampoline_lowered:
0x8: {  	[smem:$0x3FAE] =	sst s0  }
0x9: {  	[smem:$0x3FAF] =	sst s1  }
0xa: {  	[smem:$0x3FB0] =	sst s2  }
0xb: {  	[smem:$0x3FB1] =	sst s3  }
0xc: {  	[smem:$0x3FB2] =	sst s4  }
0xd: {  	[smem:$0x3FB3] =	sst s5  }
0xe: {  	[smem:$0x3FB4] =	sst s6  }
0xf: {  	[smem:$0x3FB5] =	sst s7  }
0x10: {  	[smem:$0x3FB6] =	sst s8  }
0x11: {  	[smem:$0x3FB7] =	sst s9;
	s0 =	simm.s32 @!p0 $0x0  }
0x12: {  	s1 =	sld [smem:$0x3F9D];
	s0 =	simm.s32 @p0 $0x1  }
0x13: {  	[smem:$0x3FB8] =	sst s0;
	s0 =	simm.s32 @!p1 $0x0  }
0x14: {  	s2 =	sld [smem:$0x3F9C];
	s0 =	simm.s32 @p1 $0x1  }
0x15: {  	[smem:$0x3FB9] =	sst s0;
	s0 =	simm.s32 @!p2 $0x0  }
0x16: {  	s3 =	sld [smem:$0x3FDB];
	s0 =	simm.s32 @p2 $0x1  }
0x17: {  	s4 =	simm.s32 $0x1BF5;
	[smem:$0x3FBB] =	sst s0  }
0x18: {  	s0 =	sld [smem:$0x3F9E];
	_ =	swait.ge [sflag:s4], $0x0  }
0x19: {  	s7 =	sld [smem:$0x3F9F]  }
0x1a: {  	s8 =	sadd.s32 $0xFFFFE003, lr  }
0x1b: {  	s9 =	sadd.s32 $0xFFFFFEF7, lr;
	s5 =	simm.s32 $0xFFFFFFFF;
	p2 =	slt.u32 s8, $0xFFFFF086  }
0x1c: {  	p1 =	slt.u32 s9, $0xF7A;
	s5 =	simm.s32 @!p2 $0x0  }
0x1d: {  	s5 =	simm.s32 @p1 $0x1;
	p0 =	seq.s32 s7, s2  }
0x1e: {  	s7 =	smul.u32 @!p0 $0xF7A, s2;
	p2 =	seq.s32 @!p0 s5, $0x0  }
0x1f: {  	s9 =	smul.u32 $0xF7A, s1;
	s8 =	simm.s32 @!p0 $0x1BF5;
	p2 =	por !p2, p0  }
0x20: {  	[sflag:s8] =	ssyncset.s32 @!p0 $0xFFFFF086;
	s6 =	sadd.s32 @!p0 s3, s7;
	s7 =	simm.s32 @!p0 $0x108  }
0x21: {  	s3 =	sadd.s32 s3, s9;
	s6 =	sadd.s32 @!p0 $0x88, s6;
	s7 =	simm.s32 @p2 $0x1082  }
0x22: {  	[simem:s7], [sflag:s8] =	dma.local @!p0 [hbm:s6], $0xF7A  }
0x23: {  	s9 =	sor.u32 $0xD0000000, s2;
	s6 =	simm.s32 $0x108;
	_ =	swait.ge @!p0 [sflag:s8], $0x0  }
0x24: {  	s3 =	sadd.s32 $0x88, s3;
	s6 =	simm.s32 @!p1 $0x1082;
	[sflag:s4] =	ssyncset.s32 $0xFFFFF086  }
0x25: {  	[simem:s6], [sflag:s4] =	dma.local [hbm:s3], $0xF7A  }
0x26: {  	[smem:$0x3F9F] =	sst s1;
	(tag) =	ssettag s2;
	_ =	strace s9  }
0x27: {  	s1 =	sld [smem:$0x3FAF]  }
0x28: {  	s2 =	sld [smem:$0x3FB0]  }
0x29: {  	s4 =	sld [smem:$0x3FB2]  }
0x2a: {  	p0 =	seq.s32 s5, $0x0;
	s5 =	sld [smem:$0x3FB3]  }
0x2b: {  	s6 =	sld [smem:$0x3FB4]  }
0x2c: {  	s7 =	sld [smem:$0x3FB5]  }
0x2d: {  	s3 =	simm.s32 $0x108;
	s8 =	sld [smem:$0x3FB6]  }
0x2e: {  	s3 =	simm.s32 @!p0 $0x1082;
	s9 =	sld [smem:$0x3FB7]  }
0x2f: {  	lr =	sadd.s32 s0, s3;
	s0 =	sld [smem:$0x3FAE]  }
0x30: {  	s3 =	sld [smem:$0x3FB1]  }
0x31: {  	[smem:$0x3FBA] =	sst s10  }
0x32: {  	s10 =	sld [smem:$0x3FB8];
	_ =	sdelay $0x3  }
0x33: {  	p0 =	seq.s32 s10, $0x1;
	s10 =	sld [smem:$0x3FBA];
	_ =	sdelay $0x3  }
0x34: {  	[smem:$0x3FBA] =	sst s10  }
0x35: {  	s10 =	sld [smem:$0x3FB9];
	_ =	sdelay $0x3  }
0x36: {  	p1 =	seq.s32 s10, $0x1;
	s10 =	sld [smem:$0x3FBA];
	_ =	sdelay $0x3  }
0x37: {  	[smem:$0x3FBA] =	sst s10  }
0x38: {  	s10 =	sld [smem:$0x3FBB]  }
0x39: {  	_ = 	snop;
	(pc) =	sbr.ind lr, $3  }
0x3a: {  	_ = 	snop  }
0x3b: {  	_ = 	snop  }
0x3c: {  	p2 =	seq.s32 s10, $0x1;
	s10 =	sld [smem:$0x3FBA]  }
0x3d: {  	_ =	shalt  }
0x3e: {  	_ =	shalt  }
0x3f: {  	_ =	shalt  }
0x40: {  	_ =	shalt  }
0x41: {  	_ =	shalt  }
0x42: {  	_ =	shalt  }
0x43: {  	_ =	shalt  }
0x44: {  	_ =	shalt  }
0x45: {  	_ =	shalt  }
0x46: {  	_ =	shalt  }
0x47: {  	_ =	shalt  }
0x48: {  	_ =	shalt  }
0x49: {  	_ =	shalt  }
0x4a: {  	_ =	shalt  }
0x4b: {  	_ =	shalt  }
0x4c: {  	_ =	shalt  }
0x4d: {  	_ =	shalt  }
0x4e: {  	_ =	shalt  }
0x4f: {  	_ =	shalt  }
0x50: {  	_ =	shalt  }
0x51: {  	_ =	shalt  }
0x52: {  	_ =	shalt  }
0x53: {  	_ =	shalt  }
0x54: {  	_ =	shalt  }
0x55: {  	_ =	shalt  }
0x56: {  	_ =	shalt  }
0x57: {  	_ =	shalt  }
0x58: {  	_ =	shalt  }
0x59: {  	_ =	shalt  }
0x5a: {  	_ =	shalt  }
0x5b: {  	_ =	shalt  }
0x5c: {  	_ =	shalt  }
0x5d: {  	_ =	shalt  }
0x5e: {  	_ =	shalt  }
0x5f: {  	_ =	shalt  }
0x60: {  	_ =	shalt  }
0x61: {  	_ =	shalt  }
0x62: {  	_ =	shalt  }
0x63: {  	_ =	shalt  }
0x64: {  	_ =	shalt  }
0x65: {  	_ =	shalt  }
0x66: {  	_ =	shalt  }
0x67: {  	_ =	shalt  }
0x68: {  	_ =	shalt  }
0x69: {  	_ =	shalt  }
0x6a: {  	_ =	shalt  }
0x6b: {  	_ =	shalt  }
0x6c: {  	_ =	shalt  }
0x6d: {  	_ =	shalt  }
0x6e: {  	_ =	shalt  }
0x6f: {  	_ =	shalt  }
0x70: {  	_ =	shalt  }
0x71: {  	_ =	shalt  }
0x72: {  	_ =	shalt  }
0x73: {  	_ =	shalt  }
0x74: {  	_ =	shalt  }
0x75: {  	_ =	shalt  }
0x76: {  	_ =	shalt  }
0x77: {  	_ =	shalt  }
0x78: {  	_ =	shalt  }
0x79: {  	_ =	shalt  }
0x7a: {  	_ =	shalt  }
0x7b: {  	_ =	shalt  }
0x7c: {  	_ =	shalt  }
0x7d: {  	_ =	shalt  }
0x7e: {  	_ =	shalt  }
0x7f: {  	_ =	shalt  }
0x80: {  	_ =	shalt  }
0x81: {  	_ =	shalt  }
0x82: {  	_ =	shalt  }
0x83: {  	_ =	shalt  }
0x84: {  	_ =	shalt  }
0x85: {  	_ =	shalt  }
0x86: {  	_ =	shalt  }
0x87: {  	_ =	shalt  }
.Lfunc_end0:
.L_simem_size_0:
called_computation_lowered:
.L_overlay_start_0:
0x88: {  	s2 =	sld [smem:$0x3FD9]  }
0x89: {  	s3 =	sld [smem:$0x3FFE];
	_ =	sdelay $0x1  }
0x8a: {  	s1 =	srdreg.scid  }
0x8b: {  	s0 =	sand.u32 $0x1, s1  }
0x8c: {  	s17 =	sshll.u32 s0, $0xA;
	s2 =	sadd.s32 s3, s2  }
0x8d: {  	s2 =	sadd.s32 s2, s17  }
0x8e: {  	[smem:$0x3FC6] =	sst s2  }
0x8f: {  	_ = 	snop  }
0x90: {  	s2 =	sld [smem:$0x3FC9]  }
0x91: {  	s18 =	sld [smem:$0x3FC8];
	(tm) =	ssettm $0x1  }
0x92: {  	s4 =	sld [smem:$0x3FFB];
	_ =	sdelay $0x3  }
0x93: {  	_ =	strace s4  }
0x94: {  	s4 =	sld [smem:$0x3FFC];
	_ =	sdelay $0x3  }
0x95: {  	_ =	strace s4  }
0x96: {  	s4 =	sld [smem:$0x3FFD];
	_ =	sdelay $0x3  }
0x97: {  	_ =	strace s4  }
0x98: {  	_ =	strace $0x8FFFFFFF  }
0x99: {  	s19 =	sld [smem:$0x3FDB];
	_ =	sdelay $0x1  }
0x9a: {  	s5 =	simm.s32 $_scs_section_size  }
0x9b: {  	s6 =	simm.s32 $_size__tile_overlayer_lowered;
	s7 =	simm.s32 $_tile_overlayer_lowered  }
0x9c: {  	s22 =	simm.s32 $0x1BFF;
	s21 =	sshll.u32 s7, $0x1;
	s4 =	sadd.s32 s5, s19  }
0x9d: {  	s8 =	simm.s32 $0x0;
	s20 =	sshll.u32 s6, $0x1;
	s6 =	sadd.s32 s21, s4  }
0x9e: {  	[timem:s8], [sflag:s22] =	dma.local [hbm:s6], s20  }
0x9f: {  	_ =	swait.ge [sflag:s22], s20  }
0xa0: {  	s5 =	ssub.s32 $0x0, s20;
	[sflag:s22] =	ssyncset.done $0x0  }
0xa1: {  	[sflag:s22] =	ssyncadd.s32 s5;
	_ =	sdelay $0x1  }
0xa2: {  	s23 =	simm.s32 $0x1B8B  }
0xa3: {  	_ =	swait.ge [sflag:s23], $0x1  }
0xa4: {  	[sflag:s23] =	ssyncset.done $0x0  }
0xa5: {  	s25 =	simm.s32 $0x1B8E;
	s24 =	sld [smem:$0x3FFE];
	[sflag:s23] =	ssyncadd.s32 $0xFFFFFFFF  }
0xa6: {  	s26 =	simm.s32 $execute0_lowered;
	[smem:$0x3FD2] =	sst s25  }
0xa7: {  	s6 =	sshll.u32 s26, $0x1;
	_ =	strace $0x80000046;
	[dreg:$0x1] =	wrdreg $0xFFFFFFFF  }
0xa8: {  	s28 =	simm.s32 $_size_execute0_lowered;
	s4 =	sadd.s32 s4, s6;
	[dreg:$0x0] =	wrdreg $0x0  }
0xa9: {  	s6 =	sshll.u32 s28, $0x1;
	[dreg:$0x2] =	wrdreg s4  }
0xaa: {  	[dreg:$0x3] =	wrdreg s6  }
0xab: {  	[dreg:$0x4] =	wrdreg $0xC0  }
0xac: {  	_ =	task [dreg:s8], $0x5FFFF  }
0xad: {  	[dreg:$0x1] =	wrdreg $0xFFFFFFFF  }
0xae: {  	[dreg:$0x0] =	wrdreg $0x60  }
0xaf: {  	[dreg:$0x2] =	wrdreg s2  }
0xb0: {  	[dreg:$0x3] =	wrdreg s18  }
0xb1: {  	[dreg:$0x4] =	wrdreg s24  }
0xb2: {  	[dreg:$0x5] =	wrdreg $0x9  }
0xb3: {  	_ =	task.clear_ibuf [dreg:s8], $0x6FFFF;
	_ =	strace $0x90000046  }
0xb4: {  	s29 =	simm.s32 $0x9;
	_ =	strace $0x80000048  }
0xb5: {  	_ =	swait.ge [sflag:s29], $0x1  }
0xb6: {  	[sflag:s29] =	ssyncadd.s32 $0xFFFFFFFF  }
0xb7: {  	_ =	strace $0x90000048  }
0xb8: {  	_ =	sfence  }
0xb9: {  	s30 =	sld [smem:$0x0];
	_ =	sdelay $0x2  }
0xba: {  	s31 =	sshll.u32 s1, $0xD;
	s1 =	sshrl.u32 s1, $0x2  }
0xbb: {  	s3 =	sand.u32 $0x4000, s31;
	s1 =	sadd.s32 s1, s30  }
0xbc: {  	s0 =	sor.u32 s3, s0;
	s1 =	sshll.u32 s1, $0x11  }
0xbd: {  	s0 =	sor.u32 s1, s0  }
0xbe: {  	s0 =	sadd.s32 $0x8F2B, s0  }
0xbf: {  	[sflag:s0] =	ssyncadd.remote.s32 $0x1  }
0xc0: {  	_ =	sfence.sel $0xFFFF  }
0xc1: {  	[dreg:$0x0] =	wrdreg $0xFFFFFFFF;
	(pc) =	sbr.abs _section_cstart, $3  }
0xc2: {  	[dreg:$0x1] =	wrdreg $0xFFFFFFFF  }
0xc3: {  	_ =	task.clear_ibuf [dreg:s8], $0x2FFFF;
	_ =	strace $0x9FFFFFFF  }
0xc4: {  	(tm) =	ssettm $0x7FFFFFFF  }
0xc5: {  	_ =	shalt  }
tec
execute0_lowered:
.L_overlay_start_1:
0x0: {  	(tag) =	ssettag $0x1  }
0x1: {  	s1 =	rddreg [dreg:$0x0]  }
0x2: {  	s3 =	rddreg [dreg:$0x1]  }
0x3: {  	s9 =	rddreg [dreg:$0x2];
	s4 =	srdreg.scid  }
0x4: {  	s0 =	rddreg [dreg:$0x3];
	s2 =	stileid.u32;
	s12 =	simm.s32 $0x8000  }
0x5: {  	s13 =	simm.s32 $0x4000;
	s14 =	simm.s32 $0xC000;
	s15 =	simm.s32 $0x1  }
0x6: {  	s16 =	simm.s32 $0x3;
	s17 =	simm.s32 $0x10000;
	s18 =	simm.s32 $0x10100  }
0x7: {  	s19 =	simm.s32 $0x2;
	s20 =	simm.s32 $0x4;
	s21 =	simm.s32 $0x80  }
0x8: {  	s22 =	simm.s32 $0x100;
	s23 =	simm.s32 $0x5;
	s24 =	simm.s32 $0x0  }
0x9: {  	s5 =	sand.u32 $0x1, s4;
	s4 =	simm.s32 $0x0;
	s7 =	sshll.u32 s2, $0x1  }
0xa: {  	s6 =	ssub.s32 $0x2, s5;
	[smem:$0x7FF] =	sst s4;
	s7 =	sor.u32 s5, s7  }
0xb: {  	s8 =	sshrl.u32 s6, $0x1;
	_ =	strace $0x80000047;
	s31 =	sshll.u32 s7, $0x10  }
0xc: {  	s5 =	sshll.u32 s7, $0x13;
	s10 =	sshll.u32 s7, $0x6;
	s11 =	ssub.s32 s6, s8  }
0xd: {  	s6 =	sadd.s32 s1, s31;
	s7 =	sadd.s32 s3, s31;
	s9 =	sadd.s32 s9, s10  }
0xe: {  	v0 =	vimm.f32 $0.0e+00;
	v1 =	vimm.f32 $1.000000000e+00;
	v2 =	vlaneseq.u32;
	s8 =	sor.u32 $0x8000, s5;
	s10 =	sadd.s32 $0x10, s9;
	s11 =	smax.u32 s11, $0x1  }
.LBB2_1:
0xf: {  	[tilespmem:$0x10000] =	vst v0  }
0x10: {  	[tilespmem:$0x10100] =	vst v0  }
0x11: {  	[tilespmem:$0x10010] =	vst v0  }
0x12: {  	[tilespmem:$0x10110] =	vst v0  }
0x13: {  	[tilespmem:$0x10020] =	vst v0  }
0x14: {  	[tilespmem:$0x10120] =	vst v0  }
0x15: {  	[tilespmem:$0x10030] =	vst v0  }
0x16: {  	[tilespmem:$0x10130] =	vst v0  }
0x17: {  	[tilespmem:$0x10040] =	vst v0  }
0x18: {  	[tilespmem:$0x10140] =	vst v0  }
0x19: {  	[tilespmem:$0x10050] =	vst v0  }
0x1a: {  	[tilespmem:$0x10150] =	vst v0  }
0x1b: {  	[tilespmem:$0x10060] =	vst v0  }
0x1c: {  	[tilespmem:$0x10160] =	vst v0  }
0x1d: {  	[tilespmem:$0x10070] =	vst v0  }
0x1e: {  	[tilespmem:$0x10170] =	vst v0  }
0x1f: {  	[tilespmem:$0x10080] =	vst v0  }
0x20: {  	[tilespmem:$0x10180] =	vst v0  }
0x21: {  	[tilespmem:$0x10090] =	vst v0  }
0x22: {  	[tilespmem:$0x10190] =	vst v0  }
0x23: {  	[tilespmem:$0x100A0] =	vst v0  }
0x24: {  	[tilespmem:$0x101A0] =	vst v0  }
0x25: {  	[tilespmem:$0x100B0] =	vst v0  }
0x26: {  	[tilespmem:$0x101B0] =	vst v0  }
0x27: {  	[tilespmem:$0x100C0] =	vst v0  }
0x28: {  	[tilespmem:$0x101C0] =	vst v0  }
0x29: {  	[tilespmem:$0x100D0] =	vst v0  }
0x2a: {  	[tilespmem:$0x101D0] =	vst v0  }
0x2b: {  	[tilespmem:$0x100E0] =	vst v0  }
0x2c: {  	[tilespmem:$0x101E0] =	vst v0  }
0x2d: {  	[tilespmem:$0x100F0] =	vst v0  }
0x2e: {  	[tilespmem:$0x101F0] =	vst v0  }
0x2f: {  	[tilespmem:s4], [sflag:$0x1] =	stream.linear.gather [hbm4b:s6+s4], $0x4000, $0x38;
	[tilespmem:$0x10200] =	vst v63  }
0x30: {  	s25 =	simm.s32 $0x0  }
0x31: {  	[tilespmem:s12], [sflag:$0x3] =	stream.linear.gather [hbm4b:s7+s4], $0x4000, $0x38;
	[tilespmem:$0x10200] =	vst v63  }
.LBB2_2:
0x32: {  	s26 =	sshll.u32 s25, $0xF  }
0x33: {  	s28 =	sor.u32 s26, s5  }
0x34: {  	s28 =	sshrl.u32 s28, $0x3  }
0x35: {  	s28 =	sor.u32 $0x800, s28  }
0x36: {  	s29 =	sadd.s32 s1, s28  }
0x37: {  	[tilespmem:s13], [sflag:$0x2] =	stream.linear.gather [hbm4b:s29+s4], $0x4000, $0x38;
	[tilespmem:$0x10200] =	vst v63  }
0x38: {  	s28 =	sadd.s32 s3, s28  }
0x39: {  	[tilespmem:s14], [sflag:$0x4] =	stream.linear.gather [hbm4b:s28+s4], $0x4000, $0x38;
	[tilespmem:$0x10200] =	vst v63  }
0x3a: {  	_ =	swait.ge [sflag:s15], $0x4000  }
0x3b: {  	[sflag:s15] =	ssyncset.done $0x0  }
0x3c: {  	[sflag:s15] =	ssyncadd.s32 $0xFFFFC000  }
0x3d: {  	_ =	swait.ge [sflag:s16], $0x4000  }
0x3e: {  	[sflag:s16] =	ssyncset.done $0x0  }
0x3f: {  	s28 =	simm.s32 $0x40;
	[sflag:s16] =	ssyncadd.s32 $0xFFFFC000  }
0x40: {  	v17 =	vld [tilespmem:s28+$0x30]  }
0x41: {  	v8 =	vld [tilespmem:s28+$0xFFFFFFD0]  }
0x42: {  	v7 =	vld [tilespmem:s28+$0xFFFFFFE0]  }
0x43: {  	v6 =	vld [tilespmem:s28+$0xFFFFFFF0]  }
0x44: {  	v3 =	vld [tilespmem:s28+$0x0]  }
0x45: {  	v4 =	vld [tilespmem:s28+$0x10]  }
0x46: {  	v5 =	vld [tilespmem:s28+$0x20];
	_ =	sdelay $0x1  }
0x47: {  	v9 =	vand.u32 $0x7FFFFFFF, v17;
	v10 =	vand.u32 $0x7FFFFFFF, v8  }
0x48: {  	v12 =	vand.u32 $0x7FFFFFFF, v7;
	v13 =	vand.u32 $0x7FFFFFFF, v6;
	vm4 =	vge.f32 v8, $0.0e+00  }
0x49: {  	vm2 =	vge.f32 v7, $0.0e+00;
	vm5 =	vge.f32 v6, $0.0e+00;
	v11 =	vmul.f32 $-1.442695020e+00, v9;
	v9 =	vld [tilespmem:s28+$0xFFFFFFC0];
	s28 =	simm.s32 $0x8040  }
0x4a: {  	vm3 =	vge.f32 v3, $0.0e+00;
	vm0 =	vge.f32 v4, $0.0e+00;
	vm1 =	vge.f32 v5, $0.0e+00;
	v30 =	vld [tilespmem:s28+$0x30]  }
0x4b: {  	v15 =	vmax.f32 v8, $0.0e+00;
	v14 =	vmax.f32 v7, $0.0e+00;
	v10 =	vmul.f32 $-1.442695020e+00, v10;
	v31 =	vld [tilespmem:s28+$0xFFFFFFC0]  }
0x4c: {  	vm7 =	vge.f32 v17, $0.0e+00;
	v12 =	vmul.f32 $-1.442695020e+00, v12;
	v34 =	vld [tilespmem:s28+$0xFFFFFFD0];
	(erf) = vpow2.f32 v11  }
0x4d: {  	v39 =	vld [tilespmem:s28+$0xFFFFFFE0];
	v11 =	vmul.f32 $-1.442695020e+00, v13;
	v13 =	vand.u32 $0x7FFFFFFF, v3;
	(erf) = vpow2.f32 v10  }
0x4e: {  	v41 =	vld [tilespmem:s28+$0x10];
	v10 =	vmul.f32 $-1.442695020e+00, v13;
	v13 =	vand.u32 $0x7FFFFFFF, v4;
	(erf) = vpow2.f32 v12  }
0x4f: {  	v43 =	vld [tilespmem:s28+$0x20];
	v12 =	vmul.f32 $-1.442695020e+00, v13;
	v13 =	vand.u32 $0x7FFFFFFF, v5;
	(erf) = vpow2.f32 v11  }
0x50: {  	v11 =	vand.u32 $0x7FFFFFFF, v9;
	v13 =	vmul.f32 $-1.442695020e+00, v13;
	vm6 =	vge.f32 v9, $0.0e+00  }
0x51: {  	v16 =	vmax.f32 v9, $0.0e+00;
	(erf) = vpow2.f32 v10;
	v40 =	vsub.f32 $1.000000000e+00, v30  }
0x52: {  	v10 =	vmul.f32 $-1.442695020e+00, v11;
	v62 =	vsub.f32 $1.000000000e+00, v31;
	v42 =	vsub.f32 $1.000000000e+00, v34  }
0x53: {  	v11 =	vmax.f32 v5, $0.0e+00;
	v45 =	vsub.f32 $1.000000000e+00, v39;
	v51 =	vsub.f32 $1.000000000e+00, v41  }
0x54: {  	v53 =	vsub.f32 $1.000000000e+00, v43;
	v9 =	vmul.f32 v31, v9;
	(erf) = vpow2.f32 v12  }
0x55: {  	v12 =	vmax.f32 v3, $0.0e+00;
	(erf) = vpow2.f32 v13;
	v13 =	vmax.f32 v6, $0.0e+00  }
0x56: {  	v40 =	vsel vm7, v30, v40;
	v42 =	vsel vm4, v34, v42;
	v45 =	vsel vm2, v39, v45  }
0x57: {  	v51 =	vsel vm0, v41, v51;
	v53 =	vsel vm1, v43, v53;
	v30 =	vmul.f32 v30, v17;
	v18 =	vpop (erf)  }
0x58: {  	v17 =	vmax.f32 v17, $0.0e+00;
	(erf) = vpow2.f32 v10;
	v10 =	vmax.f32 v4, $0.0e+00;
	v20 =	vpop (erf)  }
0x59: {  	v17 =	vsub.f32 v17, v30;
	v19 =	vadd.f32 $1.000000000e+00, v18;
	v46 =	vmul.f32 $1.066839620e-01, v18;
	v23 =	vpop (erf)  }
0x5a: {  	v21 =	vmul.f32 $1.066839620e-01, v20;
	v22 =	vadd.f32 $1.000000000e+00, v20;
	v24 =	vmul.f32 $1.066839620e-01, v23  }
0x5b: {  	v25 =	vadd.f32 $1.000000000e+00, v23;
	v26 =	vpop (erf);
	(erf) = vrcp.f32 v19;
	v46 =	vadd.f32 $-3.935335580e-01, v46  }
0x5c: {  	v19 =	vmul.f32 $1.066839620e-01, v26;
	v27 =	vadd.f32 $1.000000000e+00, v26;
	(erf) = vrcp.f32 v22;
	v28 =	vpop (erf)  }
0x5d: {  	v21 =	vadd.f32 $-3.935335580e-01, v21;
	v22 =	vmul.f32 $1.066839620e-01, v28;
	v29 =	vadd.f32 $1.000000000e+00, v28  }
0x5e: {  	(erf) = vrcp.f32 v25;
	v24 =	vadd.f32 $-3.935335580e-01, v24;
	v46 =	vmul.f32 v46, v18  }
0x5f: {  	(erf) = vrcp.f32 v27;
	v19 =	vadd.f32 $-3.935335580e-01, v19;
	v21 =	vmul.f32 v21, v20  }
0x60: {  	v25 =	vpop (erf);
	(erf) = vrcp.f32 v29;
	v22 =	vadd.f32 $-3.935335580e-01, v22;
	v46 =	vadd.f32 $9.797518250e-01, v46  }
0x61: {  	v24 =	vmul.f32 v24, v23;
	v32 =	vmul.f32 $1.066839620e-01, v25;
	v33 =	vadd.f32 $1.000000000e+00, v25;
	v27 =	vpop (erf)  }
0x62: {  	v21 =	vadd.f32 $9.797518250e-01, v21;
	v35 =	vmul.f32 $1.066839620e-01, v27;
	v36 =	vadd.f32 $1.000000000e+00, v27  }
0x63: {  	v37 =	vpop (erf);
	v18 =	vmul.f32 v46, v18;
	v22 =	vmul.f32 v22, v28;
	v24 =	vadd.f32 $9.797518250e-01, v24  }
0x64: {  	v29 =	vmul.f32 $1.066839620e-01, v37;
	v38 =	vadd.f32 $1.000000000e+00, v37;
	(erf) = vrcp.f32 v33  }
0x65: {  	v32 =	vadd.f32 $-3.935335580e-01, v32;
	v20 =	vmul.f32 v21, v20;
	v35 =	vadd.f32 $-3.935335580e-01, v35  }
0x66: {  	(erf) = vrcp.f32 v36;
	v18 =	vadd.f32 $9.253039610e-04, v18;
	v61 =	vadd.f32 $9.797518250e-01, v22  }
0x67: {  	v21 =	vmul.f32 v24, v23;
	v29 =	vadd.f32 $-3.935335580e-01, v29;
	(erf) = vrcp.f32 v38  }
0x68: {  	v33 =	vld [tilespmem:s28+$0xFFFFFFF0];
	v38 =	vsel vm6, v31, v62;
	v32 =	vmul.f32 v32, v25;
	v24 =	vadd.f32 $9.253039610e-04, v20  }
0x69: {  	v44 =	vpop (erf);
	v62 =	vmul.f32 v41, v4;
	v60 =	vadd.f32 v18, v17;
	v17 =	vmul.f32 v19, v26  }
0x6a: {  	v36 =	vld [tilespmem:s28+$0x0];
	v40 =	vsub.f32 v44, v40;
	v63 =	vpop (erf);
	v35 =	vmul.f32 v35, v27;
	v23 =	vmul.f32 v61, v28  }
0x6b: {  	v28 =	vmul.f32 v34, v8;
	v42 =	vsub.f32 v63, v42;
	v32 =	vadd.f32 $9.797518250e-01, v32  }
0x6c: {  	v48 =	vpop (erf);
	v63 =	vmul.f32 v43, v5;
	v5 =	vsub.f32 v16, v9;
	v10 =	vsub.f32 v10, v62  }
0x6d: {  	v29 =	vmul.f32 v29, v37;
	v47 =	vsub.f32 $1.000000000e+00, v33;
	v57 =	vsub.f32 v48, v45  }
0x6e: {  	v40 =	vand.u32 $0x7FFFFFFF, v40;
	v17 =	vadd.f32 $9.797518250e-01, v17;
	v23 =	vadd.f32 $9.253039610e-04, v23  }
0x6f: {  	v49 =	vsub.f32 $1.000000000e+00, v36;
	v40 =	vmul.f32 $1.000000000e+01, v40;
	v42 =	vand.u32 $0x7FFFFFFF, v42  }
0x70: {  	v29 =	vadd.f32 $9.797518250e-01, v29;
	v20 =	vmul.f32 v32, v25;
	v25 =	vadd.f32 $9.253039610e-04, v21  }
0x71: {  	v21 =	vmul.f32 v39, v7;
	v47 =	vsel vm5, v33, v47;
	v42 =	vmul.f32 $1.000000000e+01, v42  }
0x72: {  	v50 =	vpop (erf);
	v30 =	vand.u32 $0x7FFFFFFF, v57;
	v17 =	vmul.f32 v17, v26;
	v40 =	vtrunc.f32 v40  }
0x73: {  	v49 =	vsel vm3, v36, v49;
	v58 =	vsub.f32 v50, v47;
	v30 =	vmul.f32 $1.000000000e+01, v30  }
0x74: {  	v52 =	vpop (erf);
	v22 =	vmul.f32 v29, v37;
	v29 =	vadd.f32 $9.797518250e-01, v35;
	v7 =	vadd.f32 $9.253039610e-04, v20  }
0x75: {  	v40 =	vcvt.f32.s32 v40;
	v59 =	vsub.f32 v52, v49;
	v26 =	vadd.f32 $9.253039610e-04, v17  }
0x76: {  	v54 =	vpop (erf);
	v17 =	vmul.f32 v33, v6;
	v4 =	vtrunc.f32 v42;
	v6 =	vsub.f32 v15, v28  }
0x77: {  	v18 =	vsub.f32 v54, v51;
	v44 =	vand.u32 $0x7FFFFFFF, v58;
	v27 =	vmul.f32 v29, v27  }
0x78: {  	v55 =	vpop (erf);
	v29 =	vmul.f32 v36, v3;
	v30 =	vtrunc.f32 v30;
	v40 =	vshll.u32 v40, $0x4  }
0x79: {  	v56 =	vpop (erf);
	v19 =	vsub.f32 v55, v53;
	v45 =	vand.u32 $0x7FFFFFFF, v59;
	v44 =	vmul.f32 $1.000000000e+01, v44  }
0x7a: {  	v38 =	vsub.f32 v56, v38;
	v40 =	vor.u32 v2, v40;
	v18 =	vand.u32 $0x7FFFFFFF, v18  }
0x7b: {  	v45 =	vmul.f32 $1.000000000e+01, v45;
	v8 =	vadd.f32 $9.253039610e-04, v27;
	v27 =	vcvt.f32.s32 v30  }
0x7c: {  	v19 =	vand.u32 $0x7FFFFFFF, v19;
	v18 =	vmul.f32 $1.000000000e+01, v18;
	v9 =	vtrunc.f32 v44  }
0x7d: {  	v38 =	vand.u32 $0x7FFFFFFF, v38;
	v19 =	vmul.f32 $1.000000000e+01, v19;
	v16 =	vtrunc.f32 v45  }
0x7e: {  	v22 =	vadd.f32 $9.253039610e-04, v22;
	v38 =	vmul.f32 $1.000000000e+01, v38;
	v15 =	vtrunc.f32 v18  }
0x7f: {  	v17 =	vsub.f32 v13, v17;
	v16 =	vcvt.f32.s32 v16;
	v28 =	vtrunc.f32 v19  }
0x80: {  	v13 =	vsub.f32 v12, v29;
	v19 =	vcvt.f32.s32 v9;
	v3 =	vtrunc.f32 v38  }
0x81: {  	v18 =	vsub.f32 v14, v21;
	[tilespmem:v40+s17+$0x0] =	vst.idx.add.f32.msk $0xffff, v60;
	v20 =	vcvt.f32.s32 v3;
	v3 =	vcvt.f32.s32 v4  }
0x82: {  	s30 =	simm.s32 $0xC0;
	s29 =	simm.s32 $0x0;
	v9 =	vsub.f32 v11, v63;
	v12 =	vcvt.f32.s32 v28;
	v4 =	vcvt.f32.s32 v15;
	[tilespmem:v40+s18+$0x0] =	vst.idx.add.f32.msk $0xffff, v1  }
.LBB2_3:
0x83: {  	v21 =	vld [tilespmem:s30+$0x30];
	v14 =	vshll.u32 v20, $0x4;
	v15 =	vshll.u32 v3, $0x4;
	v20 =	vshll.u32 v27, $0x4  }
0x84: {  	s29 =	sadd.s32 $0x8, s29;
	v27 =	vshll.u32 v19, $0x4;
	v28 =	vshll.u32 v16, $0x4;
	v11 =	vshll.u32 v4, $0x4;
	v3 =	vld [tilespmem:s30+$0xFFFFFFD0]  }
0x85: {  	v16 =	vadd.f32 v22, v5;
	v19 =	vadd.f32 v24, v6;
	p0 =	slt.u32 s29, $0x3F8;
	v12 =	vshll.u32 v12, $0x4;
	v4 =	vld [tilespmem:s30+$0xFFFFFFE0]  }
0x86: {  	v18 =	vadd.f32 v25, v18;
	v34 =	vadd.f32 v26, v17;
	v14 =	vor.u32 v2, v14;
	v5 =	vld [tilespmem:s30+$0xFFFFFFF0]  }
0x87: {  	v30 =	vadd.f32 v23, v13;
	v15 =	vor.u32 v2, v15;
	v10 =	vadd.f32 v7, v10;
	v6 =	vld [tilespmem:s30+$0x0]  }
0x88: {  	v17 =	vor.u32 v2, v20;
	v9 =	vadd.f32 v8, v9;
	v7 =	vld [tilespmem:s30+$0x10];
	v13 =	vand.u32 $0x7FFFFFFF, v21  }
0x89: {  	v20 =	vand.u32 $0x7FFFFFFF, v3;
	vm0 =	vge.f32 v3, $0.0e+00;
	v8 =	vld [tilespmem:s30+$0x20];
	v22 =	vmul.f32 $-1.442695020e+00, v13  }
0x8a: {  	v13 =	vld [tilespmem:s30+$0xFFFFFFC0];
	v20 =	vmul.f32 $-1.442695020e+00, v20;
	v23 =	vand.u32 $0x7FFFFFFF, v4;
	vm1 =	vge.f32 v4, $0.0e+00  }
0x8b: {  	v23 =	vmul.f32 $-1.442695020e+00, v23;
	v24 =	vand.u32 $0x7FFFFFFF, v5;
	(erf) = vpow2.f32 v22;
	[tilespmem:v14+s17+$0x0] =	vst.idx.add.f32.msk $0xffff, v16  }
0x8c: {  	v16 =	vmul.f32 $-1.442695020e+00, v24;
	v22 =	vand.u32 $0x7FFFFFFF, v6;
	(erf) = vpow2.f32 v20;
	[tilespmem:v14+s18+$0x0] =	vst.idx.add.f32.msk $0xffff, v1  }
0x8d: {  	v14 =	vmul.f32 $-1.442695020e+00, v22;
	v20 =	vand.u32 $0x7FFFFFFF, v7;
	(erf) = vpow2.f32 v23;
	[tilespmem:v15+s17+$0x0] =	vst.idx.add.f32.msk $0xffff, v19  }
0x8e: {  	v19 =	vmul.f32 $-1.442695020e+00, v20;
	v20 =	vand.u32 $0x7FFFFFFF, v8;
	(erf) = vpow2.f32 v16;
	[tilespmem:v15+s18+$0x0] =	vst.idx.add.f32.msk $0xffff, v1  }
0x8f: {  	v15 =	vand.u32 $0x7FFFFFFF, v13;
	v16 =	vmul.f32 $-1.442695020e+00, v20;
	(erf) = vpow2.f32 v14;
	[tilespmem:v17+s17+$0x0] =	vst.idx.add.f32.msk $0xffff, v18  }
0x90: {  	vm6 =	vge.f32 v13, $0.0e+00;
	v14 =	vmul.f32 $-1.442695020e+00, v15;
	(erf) = vpow2.f32 v19;
	[tilespmem:v17+s18+$0x0] =	vst.idx.add.f32.msk $0xffff, v1  }
0x91: {  	vm5 =	vge.f32 v5, $0.0e+00;
	vm4 =	vge.f32 v6, $0.0e+00;
	(erf) = vpow2.f32 v16  }
0x92: {  	vm2 =	vge.f32 v7, $0.0e+00;
	vm3 =	vge.f32 v8, $0.0e+00;
	(erf) = vpow2.f32 v14  }
0x93: {  	v20 =	vmax.f32 v13, $0.0e+00;
	v18 =	vmax.f32 v4, $0.0e+00;
	v19 =	vmax.f32 v3, $0.0e+00  }
0x94: {  	v17 =	vmax.f32 v5, $0.0e+00;
	v16 =	vmax.f32 v6, $0.0e+00;
	v14 =	vmax.f32 v7, $0.0e+00;
	v38 =	vpop (erf)  }
0x95: {  	v39 =	vor.u32 v2, v27;
	v15 =	vmax.f32 v8, $0.0e+00;
	v29 =	vadd.f32 $1.000000000e+00, v38;
	v22 =	vpop (erf)  }
0x96: {  	v40 =	vor.u32 v2, v28;
	v32 =	vmul.f32 $1.066839620e-01, v22;
	v26 =	vadd.f32 $1.000000000e+00, v22;
	v23 =	vpop (erf)  }
0x97: {  	v33 =	vmul.f32 $1.066839620e-01, v23;
	v37 =	vadd.f32 $1.000000000e+00, v23;
	v24 =	vpop (erf);
	(erf) = vrcp.f32 v29  }
0x98: {  	s28 =	sadd.s32 $0x80, s28;
	v35 =	vmul.f32 $1.066839620e-01, v24;
	v28 =	vadd.f32 $1.000000000e+00, v24;
	(erf) = vrcp.f32 v26;
	v25 =	vpop (erf)  }
0x99: {  	v36 =	vmul.f32 $1.066839620e-01, v25;
	v31 =	vadd.f32 $1.000000000e+00, v25;
	v41 =	vld [tilespmem:s28+$0x30];
	(erf) = vrcp.f32 v37;
	v27 =	vpop (erf)  }
0x9a: {  	v26 =	vld [tilespmem:s28+$0xFFFFFFC0];
	v42 =	vmul.f32 $1.066839620e-01, v27;
	v43 =	vadd.f32 $1.000000000e+00, v27;
	(erf) = vrcp.f32 v28;
	v29 =	vpop (erf)  }
0x9b: {  	v28 =	vld [tilespmem:s28+$0xFFFFFFD0];
	v44 =	vmul.f32 $1.066839620e-01, v29;
	v45 =	vadd.f32 $1.000000000e+00, v29;
	v37 =	vpop (erf);
	(erf) = vrcp.f32 v31  }
0x9c: {  	v46 =	vmul.f32 $1.066839620e-01, v37;
	v47 =	vadd.f32 $1.000000000e+00, v37;
	v31 =	vld [tilespmem:s28+$0xFFFFFFE0];
	(erf) = vrcp.f32 v43  }
0x9d: {  	v48 =	vadd.f32 $-3.935335580e-01, v33;
	v43 =	vadd.f32 $-3.935335580e-01, v32;
	v32 =	vld [tilespmem:s28+$0xFFFFFFF0];
	(erf) = vrcp.f32 v45  }
0x9e: {  	v45 =	vadd.f32 $-3.935335580e-01, v46;
	v33 =	vld [tilespmem:s28+$0x0];
	v46 =	vsub.f32 $1.000000000e+00, v41;
	(erf) = vrcp.f32 v47  }
0x9f: {  	vm7 =	vge.f32 v21, $0.0e+00;
	v49 =	vadd.f32 $-3.935335580e-01, v35;
	v47 =	vsub.f32 $1.000000000e+00, v26;
	v35 =	vld [tilespmem:s28+$0x10]  }
0xa0: {  	v51 =	vadd.f32 $-3.935335580e-01, v36;
	v50 =	vsub.f32 $1.000000000e+00, v28;
	v36 =	vld [tilespmem:s28+$0x20];
	v46 =	vsel vm7, v41, v46;
	v52 =	vpop (erf)  }
0xa1: {  	v54 =	vmul.f32 $1.066839620e-01, v38;
	v53 =	vsub.f32 $1.000000000e+00, v31;
	v46 =	vsub.f32 v52, v46;
	v52 =	vpop (erf);
	[tilespmem:v39+s17+$0x0] =	vst.idx.add.f32.msk $0xffff, v34  }
0xa2: {  	v42 =	vadd.f32 $-3.935335580e-01, v42;
	v34 =	vsel vm6, v26, v47;
	v47 =	vsub.f32 $1.000000000e+00, v32;
	v55 =	vpop (erf);
	[tilespmem:v39+s18+$0x0] =	vst.idx.add.f32.msk $0xffff, v1  }
0xa3: {  	v54 =	vadd.f32 $-3.935335580e-01, v54;
	v39 =	vsub.f32 $1.000000000e+00, v33;
	v46 =	vand.u32 $0x7FFFFFFF, v46;
	v56 =	vpop (erf);
	[tilespmem:v40+s17+$0x0] =	vst.idx.add.f32.msk $0xffff, v30  }
0xa4: {  	v44 =	vadd.f32 $-3.935335580e-01, v44;
	v30 =	vsub.f32 $1.000000000e+00, v35;
	v46 =	vmul.f32 $1.000000000e+01, v46;
	v57 =	vpop (erf);
	[tilespmem:v40+s18+$0x0] =	vst.idx.add.f32.msk $0xffff, v1  }
0xa5: {  	v54 =	vmul.f32 v54, v38;
	v40 =	vsel vm0, v28, v50;
	v50 =	vsub.f32 $1.000000000e+00, v36;
	v58 =	vpop (erf)  }
0xa6: {  	v53 =	vsel vm1, v31, v53;
	v47 =	vsel vm5, v32, v47;
	v46 =	vtrunc.f32 v46;
	v59 =	vpop (erf)  }
0xa7: {  	v54 =	vadd.f32 $9.797518250e-01, v54;
	v39 =	vsel vm4, v33, v39;
	v46 =	vcvt.f32.s32 v46;
	v60 =	vpop (erf)  }
0xa8: {  	v30 =	vsel vm2, v35, v30;
	v50 =	vsel vm3, v36, v50;
	v34 =	vsub.f32 v60, v34  }
0xa9: {  	v38 =	vmul.f32 v54, v38;
	v41 =	vmul.f32 v41, v21;
	v46 =	vshll.u32 v46, $0x4  }
0xaa: {  	v21 =	vmax.f32 v21, $0.0e+00;
	v40 =	vsub.f32 v52, v40;
	v46 =	vor.u32 v2, v46  }
0xab: {  	v38 =	vadd.f32 $9.253039610e-04, v38;
	v45 =	vmul.f32 v45, v37;
	v21 =	vsub.f32 v21, v41  }
0xac: {  	v41 =	vmul.f32 v43, v22;
	v43 =	vsub.f32 v55, v53;
	v47 =	vsub.f32 v56, v47  }
0xad: {  	v48 =	vmul.f32 v48, v23;
	v21 =	vadd.f32 v38, v21;
	v39 =	vsub.f32 v57, v39  }
0xae: {  	v38 =	vmul.f32 v49, v24;
	v30 =	vsub.f32 v58, v30;
	v49 =	vsub.f32 v59, v50  }
0xaf: {  	v42 =	vmul.f32 v42, v27;
	v50 =	vmul.f32 v51, v25;
	v34 =	vand.u32 $0x7FFFFFFF, v34;
	[tilespmem:v46+s17+$0x0] =	vst.idx.add.f32.msk $0xffff, v21  }
0xb0: {  	v21 =	vand.u32 $0x7FFFFFFF, v40;
	v40 =	vand.u32 $0x7FFFFFFF, v43;
	v43 =	vmul.f32 v44, v29;
	[tilespmem:v46+s18+$0x0] =	vst.idx.add.f32.msk $0xffff, v1  }
0xb1: {  	v39 =	vand.u32 $0x7FFFFFFF, v39;
	v30 =	vand.u32 $0x7FFFFFFF, v30;
	v44 =	vand.u32 $0x7FFFFFFF, v47  }
0xb2: {  	v45 =	vadd.f32 $9.797518250e-01, v45;
	v41 =	vadd.f32 $9.797518250e-01, v41;
	v46 =	vand.u32 $0x7FFFFFFF, v49  }
0xb3: {  	v38 =	vadd.f32 $9.797518250e-01, v38;
	v34 =	vmul.f32 $1.000000000e+01, v34;
	v47 =	vadd.f32 $9.797518250e-01, v48  }
0xb4: {  	v42 =	vadd.f32 $9.797518250e-01, v42;
	v48 =	vadd.f32 $9.797518250e-01, v50;
	v21 =	vmul.f32 $1.000000000e+01, v21  }
0xb5: {  	v40 =	vmul.f32 $1.000000000e+01, v40;
	v44 =	vmul.f32 $1.000000000e+01, v44;
	v43 =	vadd.f32 $9.797518250e-01, v43  }
0xb6: {  	v11 =	vor.u32 v2, v11;
	v39 =	vmul.f32 $1.000000000e+01, v39;
	v30 =	vmul.f32 $1.000000000e+01, v30  }
0xb7: {  	v12 =	vor.u32 v2, v12;
	v37 =	vmul.f32 v45, v37;
	v45 =	vmul.f32 $1.000000000e+01, v46  }
0xb8: {  	v41 =	vmul.f32 v41, v22;
	v23 =	vmul.f32 v47, v23  }
0xb9: {  	v22 =	vadd.f32 $9.253039610e-04, v37;
	v37 =	vmul.f32 v38, v24;
	v38 =	vmul.f32 v48, v25  }
0xba: {  	v27 =	vmul.f32 v42, v27;
	v24 =	vadd.f32 $9.253039610e-04, v41;
	v29 =	vmul.f32 v43, v29  }
0xbb: {  	v13 =	vmul.f32 v26, v13;
	v3 =	vmul.f32 v28, v3;
	v25 =	vadd.f32 $9.253039610e-04, v23;
	[tilespmem:v11+s17+$0x0] =	vst.idx.add.f32.msk $0xffff, v10  }
0xbc: {  	v4 =	vmul.f32 v31, v4;
	v26 =	vadd.f32 $9.253039610e-04, v37;
	v10 =	vmul.f32 v32, v5;
	[tilespmem:v11+s18+$0x0] =	vst.idx.add.f32.msk $0xffff, v1  }
0xbd: {  	v28 =	vmul.f32 v35, v7;
	v23 =	vadd.f32 $9.253039610e-04, v38;
	v11 =	vmul.f32 v33, v6;
	[tilespmem:v12+s17+$0x0] =	vst.idx.add.f32.msk $0xffff, v9  }
0xbe: {  	v7 =	vadd.f32 $9.253039610e-04, v27;
	v31 =	vmul.f32 v36, v8;
	v9 =	vtrunc.f32 v34;
	[tilespmem:v12+s18+$0x0] =	vst.idx.add.f32.msk $0xffff, v1  }
0xbf: {  	v8 =	vadd.f32 $9.253039610e-04, v29;
	v12 =	vtrunc.f32 v21;
	v21 =	vtrunc.f32 v40  }
0xc0: {  	v29 =	vtrunc.f32 v39;
	v5 =	vsub.f32 v20, v13;
	v13 =	vtrunc.f32 v44  }
.Ltmp0:
0xc1: {  	v30 =	vtrunc.f32 v30;
	v32 =	vtrunc.f32 v45;
	v6 =	vsub.f32 v19, v3;
	(pc) =	sbr.rel @p0 .LBB2_3-.Ltmp0, $4  }
0xc2: {  	v18 =	vsub.f32 v18, v4;
	v20 =	vcvt.f32.s32 v9;
	v3 =	vcvt.f32.s32 v12  }
0xc3: {  	v19 =	vcvt.f32.s32 v13;
	v17 =	vsub.f32 v17, v10;
	v27 =	vcvt.f32.s32 v21  }
0xc4: {  	v4 =	vcvt.f32.s32 v30;
	v13 =	vsub.f32 v16, v11;
	v16 =	vcvt.f32.s32 v29  }
0xc5: {  	s30 =	sadd.s32 $0x80, s30;
	v10 =	vsub.f32 v14, v28;
	v9 =	vsub.f32 v15, v31;
	v12 =	vcvt.f32.s32 v32  }
0xc6: {  	v11 =	vshll.u32 v20, $0x4  }
0xc7: {  	v3 =	vshll.u32 v3, $0x4;
	v11 =	vor.u32 v2, v11  }
0xc8: {  	v3 =	vor.u32 v2, v3;
	_ =	sdelay $0x1  }
0xc9: {  	v14 =	vshll.u32 v27, $0x4;
	v5 =	vadd.f32 v22, v5  }
0xca: {  	v6 =	vadd.f32 v24, v6;
	v14 =	vor.u32 v2, v14  }
0xcb: {  	v15 =	vshll.u32 v19, $0x4;
	[tilespmem:v11+s17+$0x0] =	vst.idx.add.f32.msk $0xffff, v5  }
0xcc: {  	v5 =	vor.u32 v2, v15;
	[tilespmem:v3+s17+$0x0] =	vst.idx.add.f32.msk $0xffff, v6  }
0xcd: {  	v15 =	vadd.f32 v25, v18;
	[tilespmem:v11+s18+$0x0] =	vst.idx.add.f32.msk $0xffff, v1;
	v11 =	vshll.u32 v16, $0x4  }
0xce: {  	v4 =	vshll.u32 v4, $0x4;
	[tilespmem:v3+s18+$0x0] =	vst.idx.add.f32.msk $0xffff, v1;
	v3 =	vor.u32 v2, v11  }
0xcf: {  	v4 =	vor.u32 v2, v4;
	v6 =	vadd.f32 v26, v17;
	[tilespmem:v14+s17+$0x0] =	vst.idx.add.f32.msk $0xffff, v15  }
0xd0: {  	[tilespmem:v14+s18+$0x0] =	vst.idx.add.f32.msk $0xffff, v1  }
0xd1: {  	v11 =	vshll.u32 v12, $0x4;
	v12 =	vadd.f32 v23, v13;
	[tilespmem:v5+s17+$0x0] =	vst.idx.add.f32.msk $0xffff, v6  }
0xd2: {  	v6 =	vadd.f32 v7, v10;
	[tilespmem:v5+s18+$0x0] =	vst.idx.add.f32.msk $0xffff, v1;
	v5 =	vor.u32 v2, v11  }
0xd3: {  	[tilespmem:v3+s17+$0x0] =	vst.idx.add.f32.msk $0xffff, v12  }
0xd4: {  	[tilespmem:v4+s17+$0x0] =	vst.idx.add.f32.msk $0xffff, v6  }
0xd5: {  	p0 =	seq.s32 s25, $0xF;
	[tilespmem:v3+s18+$0x0] =	vst.idx.add.f32.msk $0xffff, v1;
	v3 =	vadd.f32 v8, v9  }
0xd6: {  	s26 =	sadd.s32 @!p0 s26, s8;
	[tilespmem:v4+s18+$0x0] =	vst.idx.add.f32.msk $0xffff, v1  }
0xd7: {  	s26 =	sshrl.u32 @!p0 s26, $0x3;
	[tilespmem:v5+s17+$0x0] =	vst.idx.add.f32.msk $0xffff, v3  }
0xd8: {  	s29 =	simm.s32 @!p0 $0x0;
	s28 =	sadd.s32 @!p0 s1, s26;
	[tilespmem:v5+s18+$0x0] =	vst.idx.add.f32.msk $0xffff, v1  }
0xd9: {  	[tilespmem:s29], [sflag:$0x1] =	stream.linear.gather @!p0 [hbm4b:s28+s29], $0x4000, $0x38;
	[tilespmem:$0x10200] =	vst v63  }
0xda: {  	s26 =	sadd.s32 @!p0 s3, s26;
	s28 =	simm.s32 @!p0 $0x8000  }
0xdb: {  	[tilespmem:s28], [sflag:$0x3] =	stream.linear.gather @!p0 [hbm4b:s26+s29], $0x4000, $0x38;
	[tilespmem:$0x10200] =	vst v63  }
0xdc: {  	_ =	swait.ge [sflag:s19], $0x4000  }
0xdd: {  	[sflag:s19] =	ssyncset.done $0x0  }
0xde: {  	[sflag:s19] =	ssyncadd.s32 $0xFFFFC000  }
0xdf: {  	_ =	swait.ge [sflag:s20], $0x4000  }
0xe0: {  	[sflag:s20] =	ssyncset.done $0x0  }
0xe1: {  	s31 =	simm.s32 $0x4040;
	[sflag:s20] =	ssyncadd.s32 $0xFFFFC000  }
0xe2: {  	v17 =	vld [tilespmem:s31+$0x30]  }
0xe3: {  	v8 =	vld [tilespmem:s31+$0xFFFFFFD0]  }
0xe4: {  	v7 =	vld [tilespmem:s31+$0xFFFFFFE0]  }
0xe5: {  	v6 =	vld [tilespmem:s31+$0xFFFFFFF0]  }
0xe6: {  	v3 =	vld [tilespmem:s31+$0x0]  }
0xe7: {  	v4 =	vld [tilespmem:s31+$0x10]  }
0xe8: {  	s26 =	simm.s32 $0xC040;
	v5 =	vld [tilespmem:s31+$0x20]  }
0xe9: {  	v30 =	vld [tilespmem:s26+$0x30]  }
0xea: {  	v31 =	vld [tilespmem:s26+$0xFFFFFFC0]  }
0xeb: {  	v34 =	vld [tilespmem:s26+$0xFFFFFFD0]  }
0xec: {  	v39 =	vld [tilespmem:s26+$0xFFFFFFE0];
	v9 =	vand.u32 $0x7FFFFFFF, v17;
	v10 =	vand.u32 $0x7FFFFFFF, v8  }
0xed: {  	v41 =	vld [tilespmem:s26+$0x10];
	v12 =	vand.u32 $0x7FFFFFFF, v7;
	v13 =	vand.u32 $0x7FFFFFFF, v6;
	vm4 =	vge.f32 v8, $0.0e+00  }
0xee: {  	v43 =	vld [tilespmem:s26+$0x20];
	vm2 =	vge.f32 v7, $0.0e+00;
	vm5 =	vge.f32 v6, $0.0e+00;
	vm3 =	vge.f32 v3, $0.0e+00  }
0xef: {  	vm0 =	vge.f32 v4, $0.0e+00;
	vm1 =	vge.f32 v5, $0.0e+00;
	v15 =	vmax.f32 v8, $0.0e+00  }
0xf0: {  	v14 =	vmax.f32 v7, $0.0e+00;
	v40 =	vsub.f32 $1.000000000e+00, v30;
	v62 =	vsub.f32 $1.000000000e+00, v31  }
0xf1: {  	vm7 =	vge.f32 v17, $0.0e+00;
	v42 =	vsub.f32 $1.000000000e+00, v34;
	v11 =	vmul.f32 $-1.442695020e+00, v9  }
0xf2: {  	v45 =	vsub.f32 $1.000000000e+00, v39;
	v51 =	vsub.f32 $1.000000000e+00, v41;
	v10 =	vmul.f32 $-1.442695020e+00, v10  }
0xf3: {  	v53 =	vsub.f32 $1.000000000e+00, v43;
	v12 =	vmul.f32 $-1.442695020e+00, v12;
	(erf) = vpow2.f32 v11  }
0xf4: {  	v40 =	vsel vm7, v30, v40;
	v42 =	vsel vm4, v34, v42;
	(erf) = vpow2.f32 v10  }
0xf5: {  	v9 =	vld [tilespmem:s31+$0xFFFFFFC0];
	v11 =	vmul.f32 $-1.442695020e+00, v13;
	v13 =	vand.u32 $0x7FFFFFFF, v3;
	(erf) = vpow2.f32 v12  }
0xf6: {  	v45 =	vsel vm2, v39, v45;
	v51 =	vsel vm0, v41, v51;
	v10 =	vmul.f32 $-1.442695020e+00, v13  }
0xf7: {  	v53 =	vsel vm1, v43, v53;
	v30 =	vmul.f32 v30, v17;
	(erf) = vpow2.f32 v11  }
0xf8: {  	v17 =	vmax.f32 v17, $0.0e+00;
	v13 =	vand.u32 $0x7FFFFFFF, v4;
	(erf) = vpow2.f32 v10  }
0xf9: {  	v17 =	vsub.f32 v17, v30;
	v12 =	vmul.f32 $-1.442695020e+00, v13;
	v13 =	vand.u32 $0x7FFFFFFF, v5  }
0xfa: {  	v11 =	vand.u32 $0x7FFFFFFF, v9;
	v13 =	vmul.f32 $-1.442695020e+00, v13;
	vm6 =	vge.f32 v9, $0.0e+00  }
0xfb: {  	v16 =	vmax.f32 v9, $0.0e+00;
	v10 =	vmul.f32 $-1.442695020e+00, v11;
	(erf) = vpow2.f32 v12  }
0xfc: {  	v9 =	vmul.f32 v31, v9;
	v11 =	vmax.f32 v5, $0.0e+00;
	(erf) = vpow2.f32 v13;
	v18 =	vpop (erf)  }
0xfd: {  	v12 =	vmax.f32 v3, $0.0e+00;
	v13 =	vmax.f32 v6, $0.0e+00;
	(erf) = vpow2.f32 v10;
	v20 =	vpop (erf)  }
0xfe: {  	v10 =	vmax.f32 v4, $0.0e+00;
	v19 =	vadd.f32 $1.000000000e+00, v18;
	v46 =	vmul.f32 $1.066839620e-01, v18;
	v23 =	vpop (erf)  }
0xff: {  	v21 =	vmul.f32 $1.066839620e-01, v20;
	v22 =	vadd.f32 $1.000000000e+00, v20;
	v24 =	vmul.f32 $1.066839620e-01, v23  }
0x100: {  	v25 =	vadd.f32 $1.000000000e+00, v23;
	v26 =	vpop (erf);
	(erf) = vrcp.f32 v19;
	v46 =	vadd.f32 $-3.935335580e-01, v46  }
0x101: {  	v19 =	vmul.f32 $1.066839620e-01, v26;
	v27 =	vadd.f32 $1.000000000e+00, v26;
	(erf) = vrcp.f32 v22;
	v28 =	vpop (erf)  }
0x102: {  	v21 =	vadd.f32 $-3.935335580e-01, v21;
	v22 =	vmul.f32 $1.066839620e-01, v28;
	v29 =	vadd.f32 $1.000000000e+00, v28  }
0x103: {  	(erf) = vrcp.f32 v25;
	v24 =	vadd.f32 $-3.935335580e-01, v24;
	v46 =	vmul.f32 v46, v18  }
0x104: {  	(erf) = vrcp.f32 v27;
	v19 =	vadd.f32 $-3.935335580e-01, v19;
	v21 =	vmul.f32 v21, v20  }
0x105: {  	v25 =	vpop (erf);
	(erf) = vrcp.f32 v29;
	v22 =	vadd.f32 $-3.935335580e-01, v22;
	v46 =	vadd.f32 $9.797518250e-01, v46  }
0x106: {  	v24 =	vmul.f32 v24, v23;
	v32 =	vmul.f32 $1.066839620e-01, v25;
	v33 =	vadd.f32 $1.000000000e+00, v25;
	v27 =	vpop (erf)  }
0x107: {  	v21 =	vadd.f32 $9.797518250e-01, v21;
	v35 =	vmul.f32 $1.066839620e-01, v27;
	v36 =	vadd.f32 $1.000000000e+00, v27  }
0x108: {  	v37 =	vpop (erf);
	v18 =	vmul.f32 v46, v18;
	v22 =	vmul.f32 v22, v28;
	v24 =	vadd.f32 $9.797518250e-01, v24  }
0x109: {  	v29 =	vmul.f32 $1.066839620e-01, v37;
	v38 =	vadd.f32 $1.000000000e+00, v37;
	(erf) = vrcp.f32 v33  }
0x10a: {  	v32 =	vadd.f32 $-3.935335580e-01, v32;
	v20 =	vmul.f32 v21, v20;
	v35 =	vadd.f32 $-3.935335580e-01, v35  }
0x10b: {  	(erf) = vrcp.f32 v36;
	v18 =	vadd.f32 $9.253039610e-04, v18;
	v61 =	vadd.f32 $9.797518250e-01, v22  }
0x10c: {  	v21 =	vmul.f32 v24, v23;
	v29 =	vadd.f32 $-3.935335580e-01, v29;
	(erf) = vrcp.f32 v38  }
0x10d: {  	v33 =	vld [tilespmem:s26+$0xFFFFFFF0];
	v38 =	vsel vm6, v31, v62;
	v32 =	vmul.f32 v32, v25;
	v24 =	vadd.f32 $9.253039610e-04, v20  }
0x10e: {  	v44 =	vpop (erf);
	v62 =	vmul.f32 v41, v4;
	v60 =	vadd.f32 v18, v17;
	v17 =	vmul.f32 v19, v26  }
0x10f: {  	v36 =	vld [tilespmem:s26+$0x0];
	v40 =	vsub.f32 v44, v40;
	v63 =	vpop (erf);
	v35 =	vmul.f32 v35, v27;
	v23 =	vmul.f32 v61, v28  }
0x110: {  	v28 =	vmul.f32 v34, v8;
	v42 =	vsub.f32 v63, v42;
	v32 =	vadd.f32 $9.797518250e-01, v32  }
0x111: {  	v48 =	vpop (erf);
	v63 =	vmul.f32 v43, v5;
	v5 =	vsub.f32 v16, v9;
	v10 =	vsub.f32 v10, v62  }
0x112: {  	v29 =	vmul.f32 v29, v37;
	v47 =	vsub.f32 $1.000000000e+00, v33;
	v57 =	vsub.f32 v48, v45  }
0x113: {  	v40 =	vand.u32 $0x7FFFFFFF, v40;
	v17 =	vadd.f32 $9.797518250e-01, v17;
	v23 =	vadd.f32 $9.253039610e-04, v23  }
0x114: {  	v49 =	vsub.f32 $1.000000000e+00, v36;
	v40 =	vmul.f32 $1.000000000e+01, v40;
	v42 =	vand.u32 $0x7FFFFFFF, v42  }
0x115: {  	v29 =	vadd.f32 $9.797518250e-01, v29;
	v20 =	vmul.f32 v32, v25;
	v25 =	vadd.f32 $9.253039610e-04, v21  }
0x116: {  	v21 =	vmul.f32 v39, v7;
	v47 =	vsel vm5, v33, v47;
	v42 =	vmul.f32 $1.000000000e+01, v42  }
0x117: {  	v50 =	vpop (erf);
	v30 =	vand.u32 $0x7FFFFFFF, v57;
	v17 =	vmul.f32 v17, v26;
	v40 =	vtrunc.f32 v40  }
0x118: {  	v49 =	vsel vm3, v36, v49;
	v58 =	vsub.f32 v50, v47;
	v30 =	vmul.f32 $1.000000000e+01, v30  }
0x119: {  	v52 =	vpop (erf);
	v22 =	vmul.f32 v29, v37;
	v29 =	vadd.f32 $9.797518250e-01, v35;
	v7 =	vadd.f32 $9.253039610e-04, v20  }
0x11a: {  	v40 =	vcvt.f32.s32 v40;
	v59 =	vsub.f32 v52, v49;
	v26 =	vadd.f32 $9.253039610e-04, v17  }
0x11b: {  	v54 =	vpop (erf);
	v17 =	vmul.f32 v33, v6;
	v4 =	vtrunc.f32 v42;
	v6 =	vsub.f32 v15, v28  }
0x11c: {  	v18 =	vsub.f32 v54, v51;
	v44 =	vand.u32 $0x7FFFFFFF, v58;
	v27 =	vmul.f32 v29, v27  }
0x11d: {  	v55 =	vpop (erf);
	v29 =	vmul.f32 v36, v3;
	v30 =	vtrunc.f32 v30;
	v40 =	vshll.u32 v40, $0x4  }
0x11e: {  	v56 =	vpop (erf);
	v19 =	vsub.f32 v55, v53;
	v45 =	vand.u32 $0x7FFFFFFF, v59;
	v44 =	vmul.f32 $1.000000000e+01, v44  }
0x11f: {  	v38 =	vsub.f32 v56, v38;
	v40 =	vor.u32 v2, v40;
	v18 =	vand.u32 $0x7FFFFFFF, v18  }
0x120: {  	v45 =	vmul.f32 $1.000000000e+01, v45;
	v8 =	vadd.f32 $9.253039610e-04, v27;
	v27 =	vcvt.f32.s32 v30  }
0x121: {  	v19 =	vand.u32 $0x7FFFFFFF, v19;
	v18 =	vmul.f32 $1.000000000e+01, v18;
	v9 =	vtrunc.f32 v44  }
0x122: {  	v38 =	vand.u32 $0x7FFFFFFF, v38;
	v19 =	vmul.f32 $1.000000000e+01, v19;
	v16 =	vtrunc.f32 v45  }
0x123: {  	v22 =	vadd.f32 $9.253039610e-04, v22;
	v38 =	vmul.f32 $1.000000000e+01, v38;
	v15 =	vtrunc.f32 v18  }
0x124: {  	v17 =	vsub.f32 v13, v17;
	v16 =	vcvt.f32.s32 v16;
	v28 =	vtrunc.f32 v19  }
0x125: {  	v13 =	vsub.f32 v12, v29;
	v19 =	vcvt.f32.s32 v9;
	v3 =	vtrunc.f32 v38  }
0x126: {  	v18 =	vsub.f32 v14, v21;
	[tilespmem:v40+s17+$0x0] =	vst.idx.add.f32.msk $0xffff, v60;
	v20 =	vcvt.f32.s32 v3;
	v3 =	vcvt.f32.s32 v4  }
0x127: {  	s28 =	simm.s32 $0x0;
	s29 =	simm.s32 $0x40C0;
	v9 =	vsub.f32 v11, v63;
	v12 =	vcvt.f32.s32 v28;
	v4 =	vcvt.f32.s32 v15;
	[tilespmem:v40+s18+$0x0] =	vst.idx.add.f32.msk $0xffff, v1  }
.LBB2_5:
0x128: {  	v21 =	vld [tilespmem:s29+$0x30];
	v14 =	vshll.u32 v20, $0x4;
	v15 =	vshll.u32 v3, $0x4;
	v20 =	vshll.u32 v27, $0x4  }
0x129: {  	s28 =	sadd.s32 $0x8, s28;
	v27 =	vshll.u32 v19, $0x4;
	v28 =	vshll.u32 v16, $0x4;
	v11 =	vshll.u32 v4, $0x4;
	v3 =	vld [tilespmem:s29+$0xFFFFFFD0]  }
0x12a: {  	v16 =	vadd.f32 v22, v5;
	v19 =	vadd.f32 v24, v6;
	p0 =	slt.u32 s28, $0x3F8;
	v12 =	vshll.u32 v12, $0x4;
	v4 =	vld [tilespmem:s29+$0xFFFFFFE0]  }
0x12b: {  	v18 =	vadd.f32 v25, v18;
	v34 =	vadd.f32 v26, v17;
	v14 =	vor.u32 v2, v14;
	v5 =	vld [tilespmem:s29+$0xFFFFFFF0]  }
0x12c: {  	v30 =	vadd.f32 v23, v13;
	v15 =	vor.u32 v2, v15;
	v10 =	vadd.f32 v7, v10;
	v6 =	vld [tilespmem:s29+$0x0]  }
0x12d: {  	v17 =	vor.u32 v2, v20;
	v9 =	vadd.f32 v8, v9;
	v7 =	vld [tilespmem:s29+$0x10];
	v13 =	vand.u32 $0x7FFFFFFF, v21  }
0x12e: {  	v20 =	vand.u32 $0x7FFFFFFF, v3;
	vm0 =	vge.f32 v3, $0.0e+00;
	v8 =	vld [tilespmem:s29+$0x20];
	v22 =	vmul.f32 $-1.442695020e+00, v13  }
0x12f: {  	v13 =	vld [tilespmem:s29+$0xFFFFFFC0];
	v20 =	vmul.f32 $-1.442695020e+00, v20;
	v23 =	vand.u32 $0x7FFFFFFF, v4;
	vm1 =	vge.f32 v4, $0.0e+00  }
0x130: {  	v23 =	vmul.f32 $-1.442695020e+00, v23;
	v24 =	vand.u32 $0x7FFFFFFF, v5;
	(erf) = vpow2.f32 v22;
	[tilespmem:v14+s17+$0x0] =	vst.idx.add.f32.msk $0xffff, v16  }
0x131: {  	v16 =	vmul.f32 $-1.442695020e+00, v24;
	v22 =	vand.u32 $0x7FFFFFFF, v6;
	(erf) = vpow2.f32 v20;
	[tilespmem:v14+s18+$0x0] =	vst.idx.add.f32.msk $0xffff, v1  }
0x132: {  	v14 =	vmul.f32 $-1.442695020e+00, v22;
	v20 =	vand.u32 $0x7FFFFFFF, v7;
	(erf) = vpow2.f32 v23;
	[tilespmem:v15+s17+$0x0] =	vst.idx.add.f32.msk $0xffff, v19  }
0x133: {  	v19 =	vmul.f32 $-1.442695020e+00, v20;
	v20 =	vand.u32 $0x7FFFFFFF, v8;
	(erf) = vpow2.f32 v16;
	[tilespmem:v15+s18+$0x0] =	vst.idx.add.f32.msk $0xffff, v1  }
0x134: {  	v15 =	vand.u32 $0x7FFFFFFF, v13;
	v16 =	vmul.f32 $-1.442695020e+00, v20;
	(erf) = vpow2.f32 v14;
	[tilespmem:v17+s17+$0x0] =	vst.idx.add.f32.msk $0xffff, v18  }
0x135: {  	vm6 =	vge.f32 v13, $0.0e+00;
	v14 =	vmul.f32 $-1.442695020e+00, v15;
	(erf) = vpow2.f32 v19;
	[tilespmem:v17+s18+$0x0] =	vst.idx.add.f32.msk $0xffff, v1  }
0x136: {  	vm5 =	vge.f32 v5, $0.0e+00;
	vm4 =	vge.f32 v6, $0.0e+00;
	(erf) = vpow2.f32 v16  }
0x137: {  	vm2 =	vge.f32 v7, $0.0e+00;
	vm3 =	vge.f32 v8, $0.0e+00;
	(erf) = vpow2.f32 v14  }
0x138: {  	v20 =	vmax.f32 v13, $0.0e+00;
	v18 =	vmax.f32 v4, $0.0e+00;
	v19 =	vmax.f32 v3, $0.0e+00  }
0x139: {  	v17 =	vmax.f32 v5, $0.0e+00;
	v16 =	vmax.f32 v6, $0.0e+00;
	v14 =	vmax.f32 v7, $0.0e+00;
	v38 =	vpop (erf)  }
0x13a: {  	v39 =	vor.u32 v2, v27;
	v15 =	vmax.f32 v8, $0.0e+00;
	v29 =	vadd.f32 $1.000000000e+00, v38;
	v22 =	vpop (erf)  }
0x13b: {  	v40 =	vor.u32 v2, v28;
	v32 =	vmul.f32 $1.066839620e-01, v22;
	v26 =	vadd.f32 $1.000000000e+00, v22;
	v23 =	vpop (erf)  }
0x13c: {  	v33 =	vmul.f32 $1.066839620e-01, v23;
	v37 =	vadd.f32 $1.000000000e+00, v23;
	v24 =	vpop (erf);
	(erf) = vrcp.f32 v29  }
0x13d: {  	s26 =	sadd.s32 $0x80, s26;
	v35 =	vmul.f32 $1.066839620e-01, v24;
	v28 =	vadd.f32 $1.000000000e+00, v24;
	(erf) = vrcp.f32 v26;
	v25 =	vpop (erf)  }
0x13e: {  	v36 =	vmul.f32 $1.066839620e-01, v25;
	v31 =	vadd.f32 $1.000000000e+00, v25;
	v41 =	vld [tilespmem:s26+$0x30];
	(erf) = vrcp.f32 v37;
	v27 =	vpop (erf)  }
0x13f: {  	v26 =	vld [tilespmem:s26+$0xFFFFFFC0];
	v42 =	vmul.f32 $1.066839620e-01, v27;
	v43 =	vadd.f32 $1.000000000e+00, v27;
	(erf) = vrcp.f32 v28;
	v29 =	vpop (erf)  }
0x140: {  	v28 =	vld [tilespmem:s26+$0xFFFFFFD0];
	v44 =	vmul.f32 $1.066839620e-01, v29;
	v45 =	vadd.f32 $1.000000000e+00, v29;
	v37 =	vpop (erf);
	(erf) = vrcp.f32 v31  }
0x141: {  	v46 =	vmul.f32 $1.066839620e-01, v37;
	v47 =	vadd.f32 $1.000000000e+00, v37;
	v31 =	vld [tilespmem:s26+$0xFFFFFFE0];
	(erf) = vrcp.f32 v43  }
0x142: {  	v48 =	vadd.f32 $-3.935335580e-01, v33;
	v43 =	vadd.f32 $-3.935335580e-01, v32;
	v32 =	vld [tilespmem:s26+$0xFFFFFFF0];
	(erf) = vrcp.f32 v45  }
0x143: {  	v45 =	vadd.f32 $-3.935335580e-01, v46;
	v33 =	vld [tilespmem:s26+$0x0];
	v46 =	vsub.f32 $1.000000000e+00, v41;
	(erf) = vrcp.f32 v47  }
0x144: {  	vm7 =	vge.f32 v21, $0.0e+00;
	v49 =	vadd.f32 $-3.935335580e-01, v35;
	v47 =	vsub.f32 $1.000000000e+00, v26;
	v35 =	vld [tilespmem:s26+$0x10]  }
0x145: {  	v51 =	vadd.f32 $-3.935335580e-01, v36;
	v50 =	vsub.f32 $1.000000000e+00, v28;
	v36 =	vld [tilespmem:s26+$0x20];
	v46 =	vsel vm7, v41, v46;
	v52 =	vpop (erf)  }
0x146: {  	v54 =	vmul.f32 $1.066839620e-01, v38;
	v53 =	vsub.f32 $1.000000000e+00, v31;
	v46 =	vsub.f32 v52, v46;
	v52 =	vpop (erf);
	[tilespmem:v39+s17+$0x0] =	vst.idx.add.f32.msk $0xffff, v34  }
0x147: {  	v42 =	vadd.f32 $-3.935335580e-01, v42;
	v34 =	vsel vm6, v26, v47;
	v47 =	vsub.f32 $1.000000000e+00, v32;
	v55 =	vpop (erf);
	[tilespmem:v39+s18+$0x0] =	vst.idx.add.f32.msk $0xffff, v1  }
0x148: {  	v54 =	vadd.f32 $-3.935335580e-01, v54;
	v39 =	vsub.f32 $1.000000000e+00, v33;
	v46 =	vand.u32 $0x7FFFFFFF, v46;
	v56 =	vpop (erf);
	[tilespmem:v40+s17+$0x0] =	vst.idx.add.f32.msk $0xffff, v30  }
0x149: {  	v44 =	vadd.f32 $-3.935335580e-01, v44;
	v30 =	vsub.f32 $1.000000000e+00, v35;
	v46 =	vmul.f32 $1.000000000e+01, v46;
	v57 =	vpop (erf);
	[tilespmem:v40+s18+$0x0] =	vst.idx.add.f32.msk $0xffff, v1  }
0x14a: {  	v54 =	vmul.f32 v54, v38;
	v40 =	vsel vm0, v28, v50;
	v50 =	vsub.f32 $1.000000000e+00, v36;
	v58 =	vpop (erf)  }
0x14b: {  	v53 =	vsel vm1, v31, v53;
	v47 =	vsel vm5, v32, v47;
	v46 =	vtrunc.f32 v46;
	v59 =	vpop (erf)  }
0x14c: {  	v54 =	vadd.f32 $9.797518250e-01, v54;
	v39 =	vsel vm4, v33, v39;
	v46 =	vcvt.f32.s32 v46;
	v60 =	vpop (erf)  }
0x14d: {  	v30 =	vsel vm2, v35, v30;
	v50 =	vsel vm3, v36, v50;
	v34 =	vsub.f32 v60, v34  }
0x14e: {  	v38 =	vmul.f32 v54, v38;
	v41 =	vmul.f32 v41, v21;
	v46 =	vshll.u32 v46, $0x4  }
0x14f: {  	v21 =	vmax.f32 v21, $0.0e+00;
	v40 =	vsub.f32 v52, v40;
	v46 =	vor.u32 v2, v46  }
0x150: {  	v38 =	vadd.f32 $9.253039610e-04, v38;
	v45 =	vmul.f32 v45, v37;
	v21 =	vsub.f32 v21, v41  }
0x151: {  	v41 =	vmul.f32 v43, v22;
	v43 =	vsub.f32 v55, v53;
	v47 =	vsub.f32 v56, v47  }
0x152: {  	v48 =	vmul.f32 v48, v23;
	v21 =	vadd.f32 v38, v21;
	v39 =	vsub.f32 v57, v39  }
0x153: {  	v38 =	vmul.f32 v49, v24;
	v30 =	vsub.f32 v58, v30;
	v49 =	vsub.f32 v59, v50  }
0x154: {  	v42 =	vmul.f32 v42, v27;
	v50 =	vmul.f32 v51, v25;
	v34 =	vand.u32 $0x7FFFFFFF, v34;
	[tilespmem:v46+s17+$0x0] =	vst.idx.add.f32.msk $0xffff, v21  }
0x155: {  	v21 =	vand.u32 $0x7FFFFFFF, v40;
	v40 =	vand.u32 $0x7FFFFFFF, v43;
	v43 =	vmul.f32 v44, v29;
	[tilespmem:v46+s18+$0x0] =	vst.idx.add.f32.msk $0xffff, v1  }
0x156: {  	v39 =	vand.u32 $0x7FFFFFFF, v39;
	v30 =	vand.u32 $0x7FFFFFFF, v30;
	v44 =	vand.u32 $0x7FFFFFFF, v47  }
0x157: {  	v45 =	vadd.f32 $9.797518250e-01, v45;
	v41 =	vadd.f32 $9.797518250e-01, v41;
	v46 =	vand.u32 $0x7FFFFFFF, v49  }
0x158: {  	v38 =	vadd.f32 $9.797518250e-01, v38;
	v34 =	vmul.f32 $1.000000000e+01, v34;
	v47 =	vadd.f32 $9.797518250e-01, v48  }
0x159: {  	v42 =	vadd.f32 $9.797518250e-01, v42;
	v48 =	vadd.f32 $9.797518250e-01, v50;
	v21 =	vmul.f32 $1.000000000e+01, v21  }
0x15a: {  	v40 =	vmul.f32 $1.000000000e+01, v40;
	v44 =	vmul.f32 $1.000000000e+01, v44;
	v43 =	vadd.f32 $9.797518250e-01, v43  }
0x15b: {  	v11 =	vor.u32 v2, v11;
	v39 =	vmul.f32 $1.000000000e+01, v39;
	v30 =	vmul.f32 $1.000000000e+01, v30  }
0x15c: {  	v12 =	vor.u32 v2, v12;
	v37 =	vmul.f32 v45, v37;
	v45 =	vmul.f32 $1.000000000e+01, v46  }
0x15d: {  	v41 =	vmul.f32 v41, v22;
	v23 =	vmul.f32 v47, v23  }
0x15e: {  	v22 =	vadd.f32 $9.253039610e-04, v37;
	v37 =	vmul.f32 v38, v24;
	v38 =	vmul.f32 v48, v25  }
0x15f: {  	v27 =	vmul.f32 v42, v27;
	v24 =	vadd.f32 $9.253039610e-04, v41;
	v29 =	vmul.f32 v43, v29  }
0x160: {  	v13 =	vmul.f32 v26, v13;
	v3 =	vmul.f32 v28, v3;
	v25 =	vadd.f32 $9.253039610e-04, v23;
	[tilespmem:v11+s17+$0x0] =	vst.idx.add.f32.msk $0xffff, v10  }
0x161: {  	v4 =	vmul.f32 v31, v4;
	v26 =	vadd.f32 $9.253039610e-04, v37;
	v10 =	vmul.f32 v32, v5;
	[tilespmem:v11+s18+$0x0] =	vst.idx.add.f32.msk $0xffff, v1  }
0x162: {  	v28 =	vmul.f32 v35, v7;
	v23 =	vadd.f32 $9.253039610e-04, v38;
	v11 =	vmul.f32 v33, v6;
	[tilespmem:v12+s17+$0x0] =	vst.idx.add.f32.msk $0xffff, v9  }
0x163: {  	v7 =	vadd.f32 $9.253039610e-04, v27;
	v31 =	vmul.f32 v36, v8;
	v9 =	vtrunc.f32 v34;
	[tilespmem:v12+s18+$0x0] =	vst.idx.add.f32.msk $0xffff, v1  }
0x164: {  	v8 =	vadd.f32 $9.253039610e-04, v29;
	v12 =	vtrunc.f32 v21;
	v21 =	vtrunc.f32 v40  }
0x165: {  	v29 =	vtrunc.f32 v39;
	v5 =	vsub.f32 v20, v13;
	v13 =	vtrunc.f32 v44  }
.Ltmp1:
0x166: {  	v30 =	vtrunc.f32 v30;
	v32 =	vtrunc.f32 v45;
	v6 =	vsub.f32 v19, v3;
	(pc) =	sbr.rel @p0 .LBB2_5-.Ltmp1, $4  }
0x167: {  	v18 =	vsub.f32 v18, v4;
	v20 =	vcvt.f32.s32 v9;
	v3 =	vcvt.f32.s32 v12  }
0x168: {  	v19 =	vcvt.f32.s32 v13;
	v17 =	vsub.f32 v17, v10;
	v27 =	vcvt.f32.s32 v21  }
0x169: {  	v4 =	vcvt.f32.s32 v30;
	v13 =	vsub.f32 v16, v11;
	v16 =	vcvt.f32.s32 v29  }
0x16a: {  	s29 =	sadd.s32 $0x80, s29;
	v10 =	vsub.f32 v14, v28;
	v9 =	vsub.f32 v15, v31;
	v12 =	vcvt.f32.s32 v32  }
0x16b: {  	v11 =	vshll.u32 v20, $0x4  }
0x16c: {  	v3 =	vshll.u32 v3, $0x4;
	v11 =	vor.u32 v2, v11  }
0x16d: {  	v14 =	vshll.u32 v27, $0x4;
	v3 =	vor.u32 v2, v3  }
0x16e: {  	v15 =	vshll.u32 v19, $0x4;
	v14 =	vor.u32 v2, v14  }
0x16f: {  	v5 =	vadd.f32 v22, v5;
	v56 =	vor.u32 v2, v15  }
0x170: {  	v6 =	vadd.f32 v24, v6;
	v4 =	vshll.u32 v4, $0x4  }
0x171: {  	v58 =	vadd.f32 v25, v18;
	v4 =	vor.u32 v2, v4;
	[tilespmem:v11+s17+$0x0] =	vst.idx.add.f32.msk $0xffff, v5  }
0x172: {  	v59 =	vadd.f32 v26, v17;
	[tilespmem:v3+s17+$0x0] =	vst.idx.add.f32.msk $0xffff, v6  }
0x173: {  	[tilespmem:v14+s17+$0x0] =	vst.idx.add.f32.msk $0xffff, v58  }
0x174: {  	v57 =	vshll.u32 v16, $0x4;
	v63 =	vadd.f32 v7, v10;
	[tilespmem:v56+s17+$0x0] =	vst.idx.add.f32.msk $0xffff, v59  }
0x175: {  	[tilespmem:v3+s18+$0x0] =	vst.idx.add.f32.msk $0xffff, v1;
	v3 =	vor.u32 v2, v57  }
0x176: {  	[tilespmem:v4+s17+$0x0] =	vst.idx.add.f32.msk $0xffff, v63  }
0x177: {  	v60 =	vshll.u32 v12, $0x4;
	[tilespmem:v11+s18+$0x0] =	vst.idx.add.f32.msk $0xffff, v1  }
0x178: {  	v61 =	vadd.f32 v23, v13;
	s25 =	sadd.s32 $0x1, s25;
	v62 =	vor.u32 v2, v60;
	[tilespmem:v14+s18+$0x0] =	vst.idx.add.f32.msk $0xffff, v1  }
0x179: {  	p0 =	sne.s32 s25, $0x10;
	[tilespmem:v56+s18+$0x0] =	vst.idx.add.f32.msk $0xffff, v1  }
.Ltmp2:
0x17a: {  	[tilespmem:v3+s17+$0x0] =	vst.idx.add.f32.msk $0xffff, v61;
	(pc) =	sbr.rel @p0 .LBB2_2-.Ltmp2, $4  }
0x17b: {  	[tilespmem:v3+s18+$0x0] =	vst.idx.add.f32.msk $0xffff, v1;
	v3 =	vadd.f32 v8, v9  }
0x17c: {  	[tilespmem:v4+s18+$0x0] =	vst.idx.add.f32.msk $0xffff, v1  }
0x17d: {  	[tilespmem:v62+s17+$0x0] =	vst.idx.add.f32.msk $0xffff, v3  }
0x17e: {  	[tilespmem:v62+s18+$0x0] =	vst.idx.add.f32.msk $0xffff, v1  }
0x17f: {  	[hbm4b:s9+s21] =	stream.strided.scatter [tilespmem:s17], [sflag:$0x5], $0x100, s22, s21, $0x38;
	[tilespmem:$0x10200] =	vst v63  }
0x180: {  	s24 =	sadd.s32 $0x1, s24;
	_ =	swait.ge [sflag:s23], $0x100  }
0x181: {  	p0 =	sne.s32 s24, s11;
	[sflag:s23] =	ssyncset.done $0x0  }
.Ltmp3:
0x182: {  	[sflag:s23] =	ssyncadd.s32 $0xFFFFFF00;
	(pc) =	sbr.rel @p0 .LBB2_1-.Ltmp3, $4  }
0x183: {  	[hbm4b:s10+s21] =	stream.strided.scatter [tilespmem:s18], [sflag:$0x5], $0x100, s22, s21, $0x38;
	[tilespmem:$0x10200] =	vst v63  }
0x184: {  	_ =	swait.ge [sflag:s23], $0x100  }
0x185: {  	[sflag:s23] =	ssyncset.done $0x0  }
0x186: {  	[sflag:s23] =	ssyncadd.s32 $0xFFFFFF00  }
0x187: {  	_ =	sfence.sel $0x180000  }
0x188: {  	[bflag:$0x0] =	sbarrier.arrive $0xFFFF  }
0x189: {  	p0 =	sne.s32 s2, $0x0;
	_ =	strace $0x90000047  }
0x18a: {  	s0 =	sadd.s32 @!p0 $0x100000, s0;
	[bflag:$0x2] =	sbarrier.arrive $0xFFFF  }
0x18b: {  	[sflag:s0] =	ssyncadd.tile.s32 @!p0 $0x1;
	_ =	shalt  }
.Lfunc_end2:
_tile_overlayer_lowered:
.L_overlay_start_2:
0x18c: {  	(tag) =	ssettag $0x2  }
0x18d: {  	s0 =	rddreg [dreg:$0x0];
	s2 =	stileid.u32  }
0x18e: {  	s1 =	rddreg [dreg:$0x1];
	p0 =	sne.s32 s2, $0x0  }
0x18f: {  	s3 =	rddreg [dreg:$0x2];
	[bflag:$0x3] =	sbarrier.arrive $0xFFFF;
	s2 =	simm.s32 @!p0 $0x1C05  }
0x190: {  	[timem:s3], [sflag:s2] =	dma.local @!p0 [hbm:s0], s1  }
0x191: {  	s0 =	simm.s32 @!p0 $0x5  }
0x192: {  	_ =	swait.ge @!p0 [sflag:s0], s1  }
0x193: {  	s1 =	ssub.s32 @!p0 $0x0, s1;
	[sflag:s0] =	ssyncset.done @!p0 $0x0  }
0x194: {  	[sflag:s0] =	ssyncadd.s32 @!p0 s1  }
0x195: {  	[bflag:$0x3] =	sbarrier.arrive $0xFFFF  }
0x196: {  	_ =	shalt  }

</sc_bundles>
